<compile_context>
chip_gen: v7x
topology: tpu7x:2x2x1
jax: 0.10.2.dev20260603
libtpu: 0.0.44.dev20260713+nightly
codegen_flags: <defaults>
</compile_context>

<pallas_src>
import jax
import jax.numpy as jnp
from jax import lax
from jax.experimental import pallas as pl
from jax.experimental.pallas import tpu as pltpu
from jax.experimental.pallas import tpu_sc as plsc

QUEUE = 65536
FEAT = 128
BATCH = 4096
NC = 2
NS = 16
NW = NC * NS
ROWS_W = QUEUE // NW
CHUNK = 256
NCH = ROWS_W // CHUNK
NBUF = 3


def _queue_body(keys, data, ptr, out, ptr_out, *scratch):
    bufs = scratch[0:NBUF]
    lsem = scratch[NBUF:2 * NBUF]
    ssem = scratch[2 * NBUF:3 * NBUF]
    pv = scratch[3 * NBUF]

    wid = lax.axis_index("s") * NC + lax.axis_index("c")

    pltpu.sync_copy(ptr, pv.at[pl.ds(0, 1)])
    praw = pv[...][0]
    pc = jnp.clip(praw, 0, QUEUE - BATCH)

    base = wid * ROWS_W

    def start_load(i):
        b = i % NBUF
        g = base + i * CHUNK
        in_keys = jnp.logical_and(g >= pc, g < pc + BATCH)

        @pl.when(in_keys)
        def _():
            pltpu.async_copy(
                keys.at[pl.ds(pl.multiple_of(g - pc, 8), CHUNK)], bufs[b], lsem[b])

        @pl.when(jnp.logical_not(in_keys))
        def _():
            pltpu.async_copy(
                data.at[pl.ds(pl.multiple_of(g, 8), CHUNK)], bufs[b], lsem[b])

    def wait_load(i):
        b = i % NBUF
        pltpu.make_async_copy(data.at[pl.ds(0, CHUNK)], bufs[b], lsem[b]).wait()

    def start_store(i):
        b = i % NBUF
        g = base + i * CHUNK
        pltpu.async_copy(bufs[b], out.at[pl.ds(pl.multiple_of(g, 8), CHUNK)], ssem[b])

    def wait_store(i):
        b = i % NBUF
        pltpu.make_async_copy(bufs[b], out.at[pl.ds(0, CHUNK)], ssem[b]).wait()

    for i in range(min(NBUF, NCH)):
        start_load(i)
    for i in range(NCH):
        wait_load(i)
        start_store(i)
        ni = i + NBUF
        if ni < NCH:
            wait_store(ni - NBUF)
            start_load(ni)
    for i in range(max(0, NCH - NBUF), NCH):
        wait_store(i)

    @pl.when(wid == 0)
    def _():
        pv[...] = jnp.full((16,), (praw + BATCH) % QUEUE, jnp.int32)
        pltpu.sync_copy(pv.at[pl.ds(0, 1)], ptr_out)


def kernel(keys, data, ptr):
    mesh = plsc.VectorSubcoreMesh(core_axis_name="c", subcore_axis_name="s")
    f = pl.kernel(
        _queue_body,
        out_type=(
            jax.ShapeDtypeStruct((QUEUE, FEAT), jnp.float32),
            jax.ShapeDtypeStruct((1,), jnp.int32),
        ),
        mesh=mesh,
        scratch_types=(
            [pltpu.VMEM((CHUNK, FEAT), jnp.float32) for _ in range(NBUF)]
            + [pltpu.SemaphoreType.DMA for _ in range(2 * NBUF)]
            + [pltpu.VMEM((16,), jnp.int32)]
        ),
    )
    return f(keys, data, ptr)

# --- scband reference (transcript-rebuilt; emitter-appended) ---
"""Pipeline reference for scband-queue-2353642078217 (READ-ONLY COPY).

The authoritative reference and input builder live on the scoring server;
editing this copy changes nothing except your own understanding.
"""

import jax, jax.numpy as jnp
import numpy as np

QUEUE_SIZE = 65536
FEATURE_DIM = 128
BATCH = 4096


def setup_inputs(seed: int = 0) -> dict:
    key = jax.random.key(seed)
    k1, _ = jax.random.split(key)
    keys = jax.random.normal(k1, (BATCH, FEATURE_DIM), dtype=jnp.float32)
    data = jnp.zeros((QUEUE_SIZE, FEATURE_DIM), dtype=jnp.float32)
    ptr = jnp.zeros((1,), dtype=jnp.int32)
    return {"keys": keys, "data": data, "ptr": ptr}


def reference(keys, data, ptr):
    # Faithful translation of Queue.forward (world_size == 1, so no all-gather):
    #   self.data[ptr:ptr+batch_size, :] = keys
    #   self.ptr[0] = (ptr + batch_size) % self.queue_size
    queue_size = data.shape[0]
    batch_size = keys.shape[0]
    p = ptr[0]
    zero = jnp.zeros((), dtype=p.dtype)
    new_data = jax.lax.dynamic_update_slice(data, keys, (p, zero))
    new_ptr = jnp.reshape((p + batch_size) % queue_size, (1,)).astype(ptr.dtype)
    return new_data, new_ptr

if __name__ == "__main__":
    import jax
    _d = setup_inputs()
    print(jax.jit(kernel)(*tuple(_d.values())))

</pallas_src>

<mosaic_0001>
#map = affine_map<(d0, d1) -> (0, 0)>
#map1 = affine_map<(d0, d1) -> (0)>
module attributes {stable_mosaic.version = 14 : i64} {
  func.func @_queue_body(%arg0: i32, %arg1: i32, %arg2: memref<4096x128xf32, #tpu.memory_space<hbm>>, %arg3: memref<65536x128xf32, #tpu.memory_space<hbm>>, %arg4: memref<1xi32, #tpu.memory_space<hbm>>, %arg5: memref<65536x128xf32, #tpu.memory_space<hbm>>, %arg6: memref<1xi32, #tpu.memory_space<hbm>>, %arg7: memref<256x128xf32, #tpu.memory_space<vmem>>, %arg8: memref<256x128xf32, #tpu.memory_space<vmem>>, %arg9: memref<256x128xf32, #tpu.memory_space<vmem>>, %arg10: memref<!tpu.dma_semaphore, #tpu.memory_space<semaphore_mem>>, %arg11: memref<!tpu.dma_semaphore, #tpu.memory_space<semaphore_mem>>, %arg12: memref<!tpu.dma_semaphore, #tpu.memory_space<semaphore_mem>>, %arg13: memref<!tpu.dma_semaphore, #tpu.memory_space<semaphore_mem>>, %arg14: memref<!tpu.dma_semaphore, #tpu.memory_space<semaphore_mem>>, %arg15: memref<!tpu.dma_semaphore, #tpu.memory_space<semaphore_mem>>, %arg16: memref<16xi32, #tpu.memory_space<vmem>>) attributes {dimension_semantics = [#tpu.dimension_semantics<core_parallel>, #tpu.dimension_semantics<subcore_parallel>], iteration_bounds = array<i64: 2, 16>, scalar_prefetch = 0 : i64, scratch_operands = 10 : i64, tpu.core_type = #tpu.core_type<sc_vector_subcore>, window_params = [{transform_indices = #map}, {transform_indices = #map}, {transform_indices = #map1}, {transform_indices = #map}, {transform_indices = #map1}]} {
    %mul3A = arith.constant 2 : i32
    %mul3A_0 = arith.muli %arg1, %mul3A : i32
    %add3A = arith.addi %mul3A_0, %arg0 : i32
    "tpu.region"() ({
      %run_scoped3A = tpu.sem_alloc : memref<!tpu.dma_semaphore, #tpu.memory_space<semaphore_mem>>
      %dma_start3A_273 = arith.constant 0 : i32
      %dma_start3A_274 = tpu.memref_slice %arg16[%dma_start3A_273] : memref<16xi32, #tpu.memory_space<vmem>> -> memref<1xi32, #tpu.memory_space<vmem>>
      %dma_start3A_275 = arith.constant 0 : i32
      %dma_start3A_276 = tpu.memref_slice %arg16[%dma_start3A_275] : memref<16xi32, #tpu.memory_space<vmem>> -> memref<1xi32, #tpu.memory_space<vmem>>
      tpu.enqueue_dma source(%arg4 : memref<1xi32, #tpu.memory_space<hbm>>) target(%dma_start3A_276 : memref<1xi32, #tpu.memory_space<vmem>>) target_semaphore(%run_scoped3A : memref<!tpu.dma_semaphore, #tpu.memory_space<semaphore_mem>>)
      %dma_wait3A_277 = arith.constant 0 : i32
      %dma_wait3A_278 = tpu.memref_slice %arg16[%dma_wait3A_277] : memref<16xi32, #tpu.memory_space<vmem>> -> memref<1xi32, #tpu.memory_space<vmem>>
      %dma_wait3A_279 = arith.constant 0 : i32
      %dma_wait3A_280 = tpu.memref_slice %arg16[%dma_wait3A_279] : memref<16xi32, #tpu.memory_space<vmem>> -> memref<1xi32, #tpu.memory_space<vmem>>
      tpu.wait_dma2 semaphore(%run_scoped3A : memref<!tpu.dma_semaphore, #tpu.memory_space<semaphore_mem>>) src(%arg4 : memref<1xi32, #tpu.memory_space<hbm>>) dst(%dma_wait3A_280 : memref<1xi32, #tpu.memory_space<vmem>>)
      tpu.yield
    }) : () -> ()
    %get3A = arith.constant 0 : index
    %get3A_1 = tpu.vector_load %arg16[%get3A] {strides = array<i32>} : memref<16xi32, #tpu.memory_space<vmem>>, vector<16xi32>,
    %get3A_2 = vector.shape_cast %get3A_1 : vector<16xi32> to vector<16xi32>
    %slice3A = vector.extract_strided_slice %get3A_2 {offsets = [0], sizes = [1], strides = [1]} : vector<16xi32> to vector<1xi32>
    %squeeze3A = vector.extract %slice3A[0] : i32 from vector<1xi32>
    %jit3A = arith.constant 0 : i32
    %jit3A_3 = arith.constant 61440 : i32
    %max3A = arith.maxsi %jit3A, %squeeze3A : i32
    %min3A = arith.minsi %jit3A_3, %max3A : i32
    %mul3A_4 = arith.constant 2048 : i32
    %mul3A_5 = arith.muli %add3A, %mul3A_4 : i32
    %add3A_6 = arith.constant 0 : i32
    %add3A_7 = arith.addi %mul3A_5, %add3A_6 : i32
    %ge3A = arith.cmpi sge, %add3A_7, %min3A : i32
    %add3A_8 = arith.constant 4096 : i32
    %add3A_9 = arith.addi %min3A, %add3A_8 : i32
    %lt3A = arith.cmpi slt, %add3A_7, %add3A_9 : i32
    %and3A = arith.andi %ge3A, %lt3A : i1
    %convert_element_type3A = arith.extui %and3A : i1 to i32
    %cond3A = arith.constant 0 : i32
    %cond3A_10 = arith.cmpi ne, %convert_element_type3A, %cond3A : i32
    scf.if %cond3A_10 {
      %sub3A = arith.subi %add3A_7, %min3A : i32
      %multiple_of3A_273 = tpu.assume_multiple %sub3A, 8 : i32
      %dma_start3A_274 = arith.constant 0 : i32
      %dma_start3A_275 = tpu.memref_slice %arg2[%multiple_of3A_273, %dma_start3A_274] : memref<4096x128xf32, #tpu.memory_space<hbm>> -> memref<256x128xf32, #tpu.memory_space<hbm>>
      %dma_start3A_276 = arith.constant 0 : i32
      %dma_start3A_277 = tpu.memref_slice %arg2[%multiple_of3A_273, %dma_start3A_276] : memref<4096x128xf32, #tpu.memory_space<hbm>> -> memref<256x128xf32, #tpu.memory_space<hbm>>
      tpu.enqueue_dma source(%dma_start3A_277 : memref<256x128xf32, #tpu.memory_space<hbm>>) target(%arg7 : memref<256x128xf32, #tpu.memory_space<vmem>>) target_semaphore(%arg10 : memref<!tpu.dma_semaphore, #tpu.memory_space<semaphore_mem>>)
    } else {
    }
    %not3A = arith.constant true
    %not3A_11 = arith.xori %and3A, %not3A : i1
    %convert_element_type3A_12 = arith.extui %not3A_11 : i1 to i32
    %cond3A_13 = arith.constant 0 : i32
    %cond3A_14 = arith.cmpi ne, %convert_element_type3A_12, %cond3A_13 : i32
    scf.if %cond3A_14 {
      %multiple_of3A_273 = tpu.assume_multiple %add3A_7, 8 : i32
      %dma_start3A_274 = arith.constant 0 : i32
      %dma_start3A_275 = tpu.memref_slice %arg3[%multiple_of3A_273, %dma_start3A_274] : memref<65536x128xf32, #tpu.memory_space<hbm>> -> memref<256x128xf32, #tpu.memory_space<hbm>>
      %dma_start3A_276 = arith.constant 0 : i32
      %dma_start3A_277 = tpu.memref_slice %arg3[%multiple_of3A_273, %dma_start3A_276] : memref<65536x128xf32, #tpu.memory_space<hbm>> -> memref<256x128xf32, #tpu.memory_space<hbm>>
      tpu.enqueue_dma source(%dma_start3A_277 : memref<256x128xf32, #tpu.memory_space<hbm>>) target(%arg7 : memref<256x128xf32, #tpu.memory_space<vmem>>) target_semaphore(%arg10 : memref<!tpu.dma_semaphore, #tpu.memory_space<semaphore_mem>>)
    } else {
    }
    %add3A_15 = arith.constant 256 : i32
    %add3A_16 = arith.addi %mul3A_5, %add3A_15 : i32
    %ge3A_17 = arith.cmpi sge, %add3A_16, %min3A : i32
    %add3A_18 = arith.constant 4096 : i32
    %add3A_19 = arith.addi %min3A, %add3A_18 : i32
    %lt3A_20 = arith.cmpi slt, %add3A_16, %add3A_19 : i32
    %and3A_21 = arith.andi %ge3A_17, %lt3A_20 : i1
    %convert_element_type3A_22 = arith.extui %and3A_21 : i1 to i32
    %cond3A_23 = arith.constant 0 : i32
    %cond3A_24 = arith.cmpi ne, %convert_element_type3A_22, %cond3A_23 : i32
    scf.if %cond3A_24 {
      %sub3A = arith.subi %add3A_16, %min3A : i32
      %multiple_of3A_273 = tpu.assume_multiple %sub3A, 8 : i32
      %dma_start3A_274 = arith.constant 0 : i32
      %dma_start3A_275 = tpu.memref_slice %arg2[%multiple_of3A_273, %dma_start3A_274] : memref<4096x128xf32, #tpu.memory_space<hbm>> -> memref<256x128xf32, #tpu.memory_space<hbm>>
      %dma_start3A_276 = arith.constant 0 : i32
      %dma_start3A_277 = tpu.memref_slice %arg2[%multiple_of3A_273, %dma_start3A_276] : memref<4096x128xf32, #tpu.memory_space<hbm>> -> memref<256x128xf32, #tpu.memory_space<hbm>>
      tpu.enqueue_dma source(%dma_start3A_277 : memref<256x128xf32, #tpu.memory_space<hbm>>) target(%arg8 : memref<256x128xf32, #tpu.memory_space<vmem>>) target_semaphore(%arg11 : memref<!tpu.dma_semaphore, #tpu.memory_space<semaphore_mem>>)
    } else {
    }
    %not3A_25 = arith.constant true
    %not3A_26 = arith.xori %and3A_21, %not3A_25 : i1
    %convert_element_type3A_27 = arith.extui %not3A_26 : i1 to i32
    %cond3A_28 = arith.constant 0 : i32
    %cond3A_29 = arith.cmpi ne, %convert_element_type3A_27, %cond3A_28 : i32
    scf.if %cond3A_29 {
      %multiple_of3A_273 = tpu.assume_multiple %add3A_16, 8 : i32
      %dma_start3A_274 = arith.constant 0 : i32
      %dma_start3A_275 = tpu.memref_slice %arg3[%multiple_of3A_273, %dma_start3A_274] : memref<65536x128xf32, #tpu.memory_space<hbm>> -> memref<256x128xf32, #tpu.memory_space<hbm>>
      %dma_start3A_276 = arith.constant 0 : i32
      %dma_start3A_277 = tpu.memref_slice %arg3[%multiple_of3A_273, %dma_start3A_276] : memref<65536x128xf32, #tpu.memory_space<hbm>> -> memref<256x128xf32, #tpu.memory_space<hbm>>
      tpu.enqueue_dma source(%dma_start3A_277 : memref<256x128xf32, #tpu.memory_space<hbm>>) target(%arg8 : memref<256x128xf32, #tpu.memory_space<vmem>>) target_semaphore(%arg11 : memref<!tpu.dma_semaphore, #tpu.memory_space<semaphore_mem>>)
    } else {
    }
    %add3A_30 = arith.constant 512 : i32
    %add3A_31 = arith.addi %mul3A_5, %add3A_30 : i32
    %ge3A_32 = arith.cmpi sge, %add3A_31, %min3A : i32
    %add3A_33 = arith.constant 4096 : i32
    %add3A_34 = arith.addi %min3A, %add3A_33 : i32
    %lt3A_35 = arith.cmpi slt, %add3A_31, %add3A_34 : i32
    %and3A_36 = arith.andi %ge3A_32, %lt3A_35 : i1
    %convert_element_type3A_37 = arith.extui %and3A_36 : i1 to i32
    %cond3A_38 = arith.constant 0 : i32
    %cond3A_39 = arith.cmpi ne, %convert_element_type3A_37, %cond3A_38 : i32
    scf.if %cond3A_39 {
      %sub3A = arith.subi %add3A_31, %min3A : i32
      %multiple_of3A_273 = tpu.assume_multiple %sub3A, 8 : i32
      %dma_start3A_274 = arith.constant 0 : i32
      %dma_start3A_275 = tpu.memref_slice %arg2[%multiple_of3A_273, %dma_start3A_274] : memref<4096x128xf32, #tpu.memory_space<hbm>> -> memref<256x128xf32, #tpu.memory_space<hbm>>
      %dma_start3A_276 = arith.constant 0 : i32
      %dma_start3A_277 = tpu.memref_slice %arg2[%multiple_of3A_273, %dma_start3A_276] : memref<4096x128xf32, #tpu.memory_space<hbm>> -> memref<256x128xf32, #tpu.memory_space<hbm>>
      tpu.enqueue_dma source(%dma_start3A_277 : memref<256x128xf32, #tpu.memory_space<hbm>>) target(%arg9 : memref<256x128xf32, #tpu.memory_space<vmem>>) target_semaphore(%arg12 : memref<!tpu.dma_semaphore, #tpu.memory_space<semaphore_mem>>)
    } else {
    }
    %not3A_40 = arith.constant true
    %not3A_41 = arith.xori %and3A_36, %not3A_40 : i1
    %convert_element_type3A_42 = arith.extui %not3A_41 : i1 to i32
    %cond3A_43 = arith.constant 0 : i32
    %cond3A_44 = arith.cmpi ne, %convert_element_type3A_42, %cond3A_43 : i32
    scf.if %cond3A_44 {
      %multiple_of3A_273 = tpu.assume_multiple %add3A_31, 8 : i32
      %dma_start3A_274 = arith.constant 0 : i32
      %dma_start3A_275 = tpu.memref_slice %arg3[%multiple_of3A_273, %dma_start3A_274] : memref<65536x128xf32, #tpu.memory_space<hbm>> -> memref<256x128xf32, #tpu.memory_space<hbm>>
      %dma_start3A_276 = arith.constant 0 : i32
      %dma_start3A_277 = tpu.memref_slice %arg3[%multiple_of3A_273, %dma_start3A_276] : memref<65536x128xf32, #tpu.memory_space<hbm>> -> memref<256x128xf32, #tpu.memory_space<hbm>>
      tpu.enqueue_dma source(%dma_start3A_277 : memref<256x128xf32, #tpu.memory_space<hbm>>) target(%arg9 : memref<256x128xf32, #tpu.memory_space<vmem>>) target_semaphore(%arg12 : memref<!tpu.dma_semaphore, #tpu.memory_space<semaphore_mem>>)
    } else {
    }
    %dma_wait3A = arith.constant 0 : i32
    %dma_wait3A_45 = arith.constant 0 : i32
    %dma_wait3A_46 = tpu.memref_slice %arg3[%dma_wait3A, %dma_wait3A_45] : memref<65536x128xf32, #tpu.memory_space<hbm>> -> memref<256x128xf32, #tpu.memory_space<hbm>>
    %dma_wait3A_47 = arith.constant 0 : i32
    %dma_wait3A_48 = arith.constant 0 : i32
    %dma_wait3A_49 = tpu.memref_slice %arg3[%dma_wait3A_47, %dma_wait3A_48] : memref<65536x128xf32, #tpu.memory_space<hbm>> -> memref<256x128xf32, #tpu.memory_space<hbm>>
    tpu.wait_dma2 semaphore(%arg10 : memref<!tpu.dma_semaphore, #tpu.memory_space<semaphore_mem>>) src(%dma_wait3A_49 : memref<256x128xf32, #tpu.memory_space<hbm>>) dst(%arg7 : memref<256x128xf32, #tpu.memory_space<vmem>>)
    %add3A_50 = arith.constant 0 : i32
    %add3A_51 = arith.addi %mul3A_5, %add3A_50 : i32
    %multiple_of3A = tpu.assume_multiple %add3A_51, 8 : i32
    %dma_start3A = arith.constant 0 : i32
    %dma_start3A_52 = tpu.memref_slice %arg5[%multiple_of3A, %dma_start3A] : memref<65536x128xf32, #tpu.memory_space<hbm>> -> memref<256x128xf32, #tpu.memory_space<hbm>>
    %dma_start3A_53 = arith.constant 0 : i32
    %dma_start3A_54 = tpu.memref_slice %arg5[%multiple_of3A, %dma_start3A_53] : memref<65536x128xf32, #tpu.memory_space<hbm>> -> memref<256x128xf32, #tpu.memory_space<hbm>>
    tpu.enqueue_dma source(%arg7 : memref<256x128xf32, #tpu.memory_space<vmem>>) target(%dma_start3A_54 : memref<256x128xf32, #tpu.memory_space<hbm>>) target_semaphore(%arg13 : memref<!tpu.dma_semaphore, #tpu.memory_space<semaphore_mem>>)
    %dma_wait3A_55 = arith.constant 0 : i32
    %dma_wait3A_56 = arith.constant 0 : i32
    %dma_wait3A_57 = tpu.memref_slice %arg5[%dma_wait3A_55, %dma_wait3A_56] : memref<65536x128xf32, #tpu.memory_space<hbm>> -> memref<256x128xf32, #tpu.memory_space<hbm>>
    %dma_wait3A_58 = arith.constant 0 : i32
    %dma_wait3A_59 = arith.constant 0 : i32
    %dma_wait3A_60 = tpu.memref_slice %arg5[%dma_wait3A_58, %dma_wait3A_59] : memref<65536x128xf32, #tpu.memory_space<hbm>> -> memref<256x128xf32, #tpu.memory_space<hbm>>
    tpu.wait_dma2 semaphore(%arg13 : memref<!tpu.dma_semaphore, #tpu.memory_space<semaphore_mem>>) src(%arg7 : memref<256x128xf32, #tpu.memory_space<vmem>>) dst(%dma_wait3A_60 : memref<256x128xf32, #tpu.memory_space<hbm>>)
    %add3A_61 = arith.constant 768 : i32
    %add3A_62 = arith.addi %mul3A_5, %add3A_61 : i32
    %ge3A_63 = arith.cmpi sge, %add3A_62, %min3A : i32
    %add3A_64 = arith.constant 4096 : i32
    %add3A_65 = arith.addi %min3A, %add3A_64 : i32
    %lt3A_66 = arith.cmpi slt, %add3A_62, %add3A_65 : i32
    %and3A_67 = arith.andi %ge3A_63, %lt3A_66 : i1
    %convert_element_type3A_68 = arith.extui %and3A_67 : i1 to i32
    %cond3A_69 = arith.constant 0 : i32
    %cond3A_70 = arith.cmpi ne, %convert_element_type3A_68, %cond3A_69 : i32
    scf.if %cond3A_70 {
      %sub3A = arith.subi %add3A_62, %min3A : i32
      %multiple_of3A_273 = tpu.assume_multiple %sub3A, 8 : i32
      %dma_start3A_274 = arith.constant 0 : i32
      %dma_start3A_275 = tpu.memref_slice %arg2[%multiple_of3A_273, %dma_start3A_274] : memref<4096x128xf32, #tpu.memory_space<hbm>> -> memref<256x128xf32, #tpu.memory_space<hbm>>
      %dma_start3A_276 = arith.constant 0 : i32
      %dma_start3A_277 = tpu.memref_slice %arg2[%multiple_of3A_273, %dma_start3A_276] : memref<4096x128xf32, #tpu.memory_space<hbm>> -> memref<256x128xf32, #tpu.memory_space<hbm>>
      tpu.enqueue_dma source(%dma_start3A_277 : memref<256x128xf32, #tpu.memory_space<hbm>>) target(%arg7 : memref<256x128xf32, #tpu.memory_space<vmem>>) target_semaphore(%arg10 : memref<!tpu.dma_semaphore, #tpu.memory_space<semaphore_mem>>)
    } else {
    }
    %not3A_71 = arith.constant true
    %not3A_72 = arith.xori %and3A_67, %not3A_71 : i1
    %convert_element_type3A_73 = arith.extui %not3A_72 : i1 to i32
    %cond3A_74 = arith.constant 0 : i32
    %cond3A_75 = arith.cmpi ne, %convert_element_type3A_73, %cond3A_74 : i32
    scf.if %cond3A_75 {
      %multiple_of3A_273 = tpu.assume_multiple %add3A_62, 8 : i32
      %dma_start3A_274 = arith.constant 0 : i32
      %dma_start3A_275 = tpu.memref_slice %arg3[%multiple_of3A_273, %dma_start3A_274] : memref<65536x128xf32, #tpu.memory_space<hbm>> -> memref<256x128xf32, #tpu.memory_space<hbm>>
      %dma_start3A_276 = arith.constant 0 : i32
      %dma_start3A_277 = tpu.memref_slice %arg3[%multiple_of3A_273, %dma_start3A_276] : memref<65536x128xf32, #tpu.memory_space<hbm>> -> memref<256x128xf32, #tpu.memory_space<hbm>>
      tpu.enqueue_dma source(%dma_start3A_277 : memref<256x128xf32, #tpu.memory_space<hbm>>) target(%arg7 : memref<256x128xf32, #tpu.memory_space<vmem>>) target_semaphore(%arg10 : memref<!tpu.dma_semaphore, #tpu.memory_space<semaphore_mem>>)
    } else {
    }
    %dma_wait3A_76 = arith.constant 0 : i32
    %dma_wait3A_77 = arith.constant 0 : i32
    %dma_wait3A_78 = tpu.memref_slice %arg3[%dma_wait3A_76, %dma_wait3A_77] : memref<65536x128xf32, #tpu.memory_space<hbm>> -> memref<256x128xf32, #tpu.memory_space<hbm>>
    %dma_wait3A_79 = arith.constant 0 : i32
    %dma_wait3A_80 = arith.constant 0 : i32
    %dma_wait3A_81 = tpu.memref_slice %arg3[%dma_wait3A_79, %dma_wait3A_80] : memref<65536x128xf32, #tpu.memory_space<hbm>> -> memref<256x128xf32, #tpu.memory_space<hbm>>
    tpu.wait_dma2 semaphore(%arg11 : memref<!tpu.dma_semaphore, #tpu.memory_space<semaphore_mem>>) src(%dma_wait3A_81 : memref<256x128xf32, #tpu.memory_space<hbm>>) dst(%arg8 : memref<256x128xf32, #tpu.memory_space<vmem>>)
    %add3A_82 = arith.constant 256 : i32
    %add3A_83 = arith.addi %mul3A_5, %add3A_82 : i32
    %multiple_of3A_84 = tpu.assume_multiple %add3A_83, 8 : i32
    %dma_start3A_85 = arith.constant 0 : i32
    %dma_start3A_86 = tpu.memref_slice %arg5[%multiple_of3A_84, %dma_start3A_85] : memref<65536x128xf32, #tpu.memory_space<hbm>> -> memref<256x128xf32, #tpu.memory_space<hbm>>
    %dma_start3A_87 = arith.constant 0 : i32
    %dma_start3A_88 = tpu.memref_slice %arg5[%multiple_of3A_84, %dma_start3A_87] : memref<65536x128xf32, #tpu.memory_space<hbm>> -> memref<256x128xf32, #tpu.memory_space<hbm>>
    tpu.enqueue_dma source(%arg8 : memref<256x128xf32, #tpu.memory_space<vmem>>) target(%dma_start3A_88 : memref<256x128xf32, #tpu.memory_space<hbm>>) target_semaphore(%arg14 : memref<!tpu.dma_semaphore, #tpu.memory_space<semaphore_mem>>)
    %dma_wait3A_89 = arith.constant 0 : i32
    %dma_wait3A_90 = arith.constant 0 : i32
    %dma_wait3A_91 = tpu.memref_slice %arg5[%dma_wait3A_89, %dma_wait3A_90] : memref<65536x128xf32, #tpu.memory_space<hbm>> -> memref<256x128xf32, #tpu.memory_space<hbm>>
    %dma_wait3A_92 = arith.constant 0 : i32
    %dma_wait3A_93 = arith.constant 0 : i32
    %dma_wait3A_94 = tpu.memref_slice %arg5[%dma_wait3A_92, %dma_wait3A_93] : memref<65536x128xf32, #tpu.memory_space<hbm>> -> memref<256x128xf32, #tpu.memory_space<hbm>>
    tpu.wait_dma2 semaphore(%arg14 : memref<!tpu.dma_semaphore, #tpu.memory_space<semaphore_mem>>) src(%arg8 : memref<256x128xf32, #tpu.memory_space<vmem>>) dst(%dma_wait3A_94 : memref<256x128xf32, #tpu.memory_space<hbm>>)
    %add3A_95 = arith.constant 1024 : i32
    %add3A_96 = arith.addi %mul3A_5, %add3A_95 : i32
    %ge3A_97 = arith.cmpi sge, %add3A_96, %min3A : i32
    %add3A_98 = arith.constant 4096 : i32
    %add3A_99 = arith.addi %min3A, %add3A_98 : i32
    %lt3A_100 = arith.cmpi slt, %add3A_96, %add3A_99 : i32
    %and3A_101 = arith.andi %ge3A_97, %lt3A_100 : i1
    %convert_element_type3A_102 = arith.extui %and3A_101 : i1 to i32
    %cond3A_103 = arith.constant 0 : i32
    %cond3A_104 = arith.cmpi ne, %convert_element_type3A_102, %cond3A_103 : i32
    scf.if %cond3A_104 {
      %sub3A = arith.subi %add3A_96, %min3A : i32
      %multiple_of3A_273 = tpu.assume_multiple %sub3A, 8 : i32
      %dma_start3A_274 = arith.constant 0 : i32
      %dma_start3A_275 = tpu.memref_slice %arg2[%multiple_of3A_273, %dma_start3A_274] : memref<4096x128xf32, #tpu.memory_space<hbm>> -> memref<256x128xf32, #tpu.memory_space<hbm>>
      %dma_start3A_276 = arith.constant 0 : i32
      %dma_start3A_277 = tpu.memref_slice %arg2[%multiple_of3A_273, %dma_start3A_276] : memref<4096x128xf32, #tpu.memory_space<hbm>> -> memref<256x128xf32, #tpu.memory_space<hbm>>
      tpu.enqueue_dma source(%dma_start3A_277 : memref<256x128xf32, #tpu.memory_space<hbm>>) target(%arg8 : memref<256x128xf32, #tpu.memory_space<vmem>>) target_semaphore(%arg11 : memref<!tpu.dma_semaphore, #tpu.memory_space<semaphore_mem>>)
    } else {
    }
    %not3A_105 = arith.constant true
    %not3A_106 = arith.xori %and3A_101, %not3A_105 : i1
    %convert_element_type3A_107 = arith.extui %not3A_106 : i1 to i32
    %cond3A_108 = arith.constant 0 : i32
    %cond3A_109 = arith.cmpi ne, %convert_element_type3A_107, %cond3A_108 : i32
    scf.if %cond3A_109 {
      %multiple_of3A_273 = tpu.assume_multiple %add3A_96, 8 : i32
      %dma_start3A_274 = arith.constant 0 : i32
      %dma_start3A_275 = tpu.memref_slice %arg3[%multiple_of3A_273, %dma_start3A_274] : memref<65536x128xf32, #tpu.memory_space<hbm>> -> memref<256x128xf32, #tpu.memory_space<hbm>>
      %dma_start3A_276 = arith.constant 0 : i32
      %dma_start3A_277 = tpu.memref_slice %arg3[%multiple_of3A_273, %dma_start3A_276] : memref<65536x128xf32, #tpu.memory_space<hbm>> -> memref<256x128xf32, #tpu.memory_space<hbm>>
      tpu.enqueue_dma source(%dma_start3A_277 : memref<256x128xf32, #tpu.memory_space<hbm>>) target(%arg8 : memref<256x128xf32, #tpu.memory_space<vmem>>) target_semaphore(%arg11 : memref<!tpu.dma_semaphore, #tpu.memory_space<semaphore_mem>>)
    } else {
    }
    %dma_wait3A_110 = arith.constant 0 : i32
    %dma_wait3A_111 = arith.constant 0 : i32
    %dma_wait3A_112 = tpu.memref_slice %arg3[%dma_wait3A_110, %dma_wait3A_111] : memref<65536x128xf32, #tpu.memory_space<hbm>> -> memref<256x128xf32, #tpu.memory_space<hbm>>
    %dma_wait3A_113 = arith.constant 0 : i32
    %dma_wait3A_114 = arith.constant 0 : i32
    %dma_wait3A_115 = tpu.memref_slice %arg3[%dma_wait3A_113, %dma_wait3A_114] : memref<65536x128xf32, #tpu.memory_space<hbm>> -> memref<256x128xf32, #tpu.memory_space<hbm>>
    tpu.wait_dma2 semaphore(%arg12 : memref<!tpu.dma_semaphore, #tpu.memory_space<semaphore_mem>>) src(%dma_wait3A_115 : memref<256x128xf32, #tpu.memory_space<hbm>>) dst(%arg9 : memref<256x128xf32, #tpu.memory_space<vmem>>)
    %add3A_116 = arith.constant 512 : i32
    %add3A_117 = arith.addi %mul3A_5, %add3A_116 : i32
    %multiple_of3A_118 = tpu.assume_multiple %add3A_117, 8 : i32
    %dma_start3A_119 = arith.constant 0 : i32
    %dma_start3A_120 = tpu.memref_slice %arg5[%multiple_of3A_118, %dma_start3A_119] : memref<65536x128xf32, #tpu.memory_space<hbm>> -> memref<256x128xf32, #tpu.memory_space<hbm>>
    %dma_start3A_121 = arith.constant 0 : i32
    %dma_start3A_122 = tpu.memref_slice %arg5[%multiple_of3A_118, %dma_start3A_121] : memref<65536x128xf32, #tpu.memory_space<hbm>> -> memref<256x128xf32, #tpu.memory_space<hbm>>
    tpu.enqueue_dma source(%arg9 : memref<256x128xf32, #tpu.memory_space<vmem>>) target(%dma_start3A_122 : memref<256x128xf32, #tpu.memory_space<hbm>>) target_semaphore(%arg15 : memref<!tpu.dma_semaphore, #tpu.memory_space<semaphore_mem>>)
    %dma_wait3A_123 = arith.constant 0 : i32
    %dma_wait3A_124 = arith.constant 0 : i32
    %dma_wait3A_125 = tpu.memref_slice %arg5[%dma_wait3A_123, %dma_wait3A_124] : memref<65536x128xf32, #tpu.memory_space<hbm>> -> memref<256x128xf32, #tpu.memory_space<hbm>>
    %dma_wait3A_126 = arith.constant 0 : i32
    %dma_wait3A_127 = arith.constant 0 : i32
    %dma_wait3A_128 = tpu.memref_slice %arg5[%dma_wait3A_126, %dma_wait3A_127] : memref<65536x128xf32, #tpu.memory_space<hbm>> -> memref<256x128xf32, #tpu.memory_space<hbm>>
    tpu.wait_dma2 semaphore(%arg15 : memref<!tpu.dma_semaphore, #tpu.memory_space<semaphore_mem>>) src(%arg9 : memref<256x128xf32, #tpu.memory_space<vmem>>) dst(%dma_wait3A_128 : memref<256x128xf32, #tpu.memory_space<hbm>>)
    %add3A_129 = arith.constant 1280 : i32
    %add3A_130 = arith.addi %mul3A_5, %add3A_129 : i32
    %ge3A_131 = arith.cmpi sge, %add3A_130, %min3A : i32
    %add3A_132 = arith.constant 4096 : i32
    %add3A_133 = arith.addi %min3A, %add3A_132 : i32
    %lt3A_134 = arith.cmpi slt, %add3A_130, %add3A_133 : i32
    %and3A_135 = arith.andi %ge3A_131, %lt3A_134 : i1
    %convert_element_type3A_136 = arith.extui %and3A_135 : i1 to i32
    %cond3A_137 = arith.constant 0 : i32
    %cond3A_138 = arith.cmpi ne, %convert_element_type3A_136, %cond3A_137 : i32
    scf.if %cond3A_138 {
      %sub3A = arith.subi %add3A_130, %min3A : i32
      %multiple_of3A_273 = tpu.assume_multiple %sub3A, 8 : i32
      %dma_start3A_274 = arith.constant 0 : i32
      %dma_start3A_275 = tpu.memref_slice %arg2[%multiple_of3A_273, %dma_start3A_274] : memref<4096x128xf32, #tpu.memory_space<hbm>> -> memref<256x128xf32, #tpu.memory_space<hbm>>
      %dma_start3A_276 = arith.constant 0 : i32
      %dma_start3A_277 = tpu.memref_slice %arg2[%multiple_of3A_273, %dma_start3A_276] : memref<4096x128xf32, #tpu.memory_space<hbm>> -> memref<256x128xf32, #tpu.memory_space<hbm>>
      tpu.enqueue_dma source(%dma_start3A_277 : memref<256x128xf32, #tpu.memory_space<hbm>>) target(%arg9 : memref<256x128xf32, #tpu.memory_space<vmem>>) target_semaphore(%arg12 : memref<!tpu.dma_semaphore, #tpu.memory_space<semaphore_mem>>)
    } else {
    }
    %not3A_139 = arith.constant true
    %not3A_140 = arith.xori %and3A_135, %not3A_139 : i1
    %convert_element_type3A_141 = arith.extui %not3A_140 : i1 to i32
    %cond3A_142 = arith.constant 0 : i32
    %cond3A_143 = arith.cmpi ne, %convert_element_type3A_141, %cond3A_142 : i32
    scf.if %cond3A_143 {
      %multiple_of3A_273 = tpu.assume_multiple %add3A_130, 8 : i32
      %dma_start3A_274 = arith.constant 0 : i32
      %dma_start3A_275 = tpu.memref_slice %arg3[%multiple_of3A_273, %dma_start3A_274] : memref<65536x128xf32, #tpu.memory_space<hbm>> -> memref<256x128xf32, #tpu.memory_space<hbm>>
      %dma_start3A_276 = arith.constant 0 : i32
      %dma_start3A_277 = tpu.memref_slice %arg3[%multiple_of3A_273, %dma_start3A_276] : memref<65536x128xf32, #tpu.memory_space<hbm>> -> memref<256x128xf32, #tpu.memory_space<hbm>>
      tpu.enqueue_dma source(%dma_start3A_277 : memref<256x128xf32, #tpu.memory_space<hbm>>) target(%arg9 : memref<256x128xf32, #tpu.memory_space<vmem>>) target_semaphore(%arg12 : memref<!tpu.dma_semaphore, #tpu.memory_space<semaphore_mem>>)
    } else {
    }
    %dma_wait3A_144 = arith.constant 0 : i32
    %dma_wait3A_145 = arith.constant 0 : i32
    %dma_wait3A_146 = tpu.memref_slice %arg3[%dma_wait3A_144, %dma_wait3A_145] : memref<65536x128xf32, #tpu.memory_space<hbm>> -> memref<256x128xf32, #tpu.memory_space<hbm>>
    %dma_wait3A_147 = arith.constant 0 : i32
    %dma_wait3A_148 = arith.constant 0 : i32
    %dma_wait3A_149 = tpu.memref_slice %arg3[%dma_wait3A_147, %dma_wait3A_148] : memref<65536x128xf32, #tpu.memory_space<hbm>> -> memref<256x128xf32, #tpu.memory_space<hbm>>
    tpu.wait_dma2 semaphore(%arg10 : memref<!tpu.dma_semaphore, #tpu.memory_space<semaphore_mem>>) src(%dma_wait3A_149 : memref<256x128xf32, #tpu.memory_space<hbm>>) dst(%arg7 : memref<256x128xf32, #tpu.memory_space<vmem>>)
    %add3A_150 = arith.constant 768 : i32
    %add3A_151 = arith.addi %mul3A_5, %add3A_150 : i32
    %multiple_of3A_152 = tpu.assume_multiple %add3A_151, 8 : i32
    %dma_start3A_153 = arith.constant 0 : i32
    %dma_start3A_154 = tpu.memref_slice %arg5[%multiple_of3A_152, %dma_start3A_153] : memref<65536x128xf32, #tpu.memory_space<hbm>> -> memref<256x128xf32, #tpu.memory_space<hbm>>
    %dma_start3A_155 = arith.constant 0 : i32
    %dma_start3A_156 = tpu.memref_slice %arg5[%multiple_of3A_152, %dma_start3A_155] : memref<65536x128xf32, #tpu.memory_space<hbm>> -> memref<256x128xf32, #tpu.memory_space<hbm>>
    tpu.enqueue_dma source(%arg7 : memref<256x128xf32, #tpu.memory_space<vmem>>) target(%dma_start3A_156 : memref<256x128xf32, #tpu.memory_space<hbm>>) target_semaphore(%arg13 : memref<!tpu.dma_semaphore, #tpu.memory_space<semaphore_mem>>)
    %dma_wait3A_157 = arith.constant 0 : i32
    %dma_wait3A_158 = arith.constant 0 : i32
    %dma_wait3A_159 = tpu.memref_slice %arg5[%dma_wait3A_157, %dma_wait3A_158] : memref<65536x128xf32, #tpu.memory_space<hbm>> -> memref<256x128xf32, #tpu.memory_space<hbm>>
    %dma_wait3A_160 = arith.constant 0 : i32
    %dma_wait3A_161 = arith.constant 0 : i32
    %dma_wait3A_162 = tpu.memref_slice %arg5[%dma_wait3A_160, %dma_wait3A_161] : memref<65536x128xf32, #tpu.memory_space<hbm>> -> memref<256x128xf32, #tpu.memory_space<hbm>>
    tpu.wait_dma2 semaphore(%arg13 : memref<!tpu.dma_semaphore, #tpu.memory_space<semaphore_mem>>) src(%arg7 : memref<256x128xf32, #tpu.memory_space<vmem>>) dst(%dma_wait3A_162 : memref<256x128xf32, #tpu.memory_space<hbm>>)
    %add3A_163 = arith.constant 1536 : i32
    %add3A_164 = arith.addi %mul3A_5, %add3A_163 : i32
    %ge3A_165 = arith.cmpi sge, %add3A_164, %min3A : i32
    %add3A_166 = arith.constant 4096 : i32
    %add3A_167 = arith.addi %min3A, %add3A_166 : i32
    %lt3A_168 = arith.cmpi slt, %add3A_164, %add3A_167 : i32
    %and3A_169 = arith.andi %ge3A_165, %lt3A_168 : i1
    %convert_element_type3A_170 = arith.extui %and3A_169 : i1 to i32
    %cond3A_171 = arith.constant 0 : i32
    %cond3A_172 = arith.cmpi ne, %convert_element_type3A_170, %cond3A_171 : i32
    scf.if %cond3A_172 {
      %sub3A = arith.subi %add3A_164, %min3A : i32
      %multiple_of3A_273 = tpu.assume_multiple %sub3A, 8 : i32
      %dma_start3A_274 = arith.constant 0 : i32
      %dma_start3A_275 = tpu.memref_slice %arg2[%multiple_of3A_273, %dma_start3A_274] : memref<4096x128xf32, #tpu.memory_space<hbm>> -> memref<256x128xf32, #tpu.memory_space<hbm>>
      %dma_start3A_276 = arith.constant 0 : i32
      %dma_start3A_277 = tpu.memref_slice %arg2[%multiple_of3A_273, %dma_start3A_276] : memref<4096x128xf32, #tpu.memory_space<hbm>> -> memref<256x128xf32, #tpu.memory_space<hbm>>
      tpu.enqueue_dma source(%dma_start3A_277 : memref<256x128xf32, #tpu.memory_space<hbm>>) target(%arg7 : memref<256x128xf32, #tpu.memory_space<vmem>>) target_semaphore(%arg10 : memref<!tpu.dma_semaphore, #tpu.memory_space<semaphore_mem>>)
    } else {
    }
    %not3A_173 = arith.constant true
    %not3A_174 = arith.xori %and3A_169, %not3A_173 : i1
    %convert_element_type3A_175 = arith.extui %not3A_174 : i1 to i32
    %cond3A_176 = arith.constant 0 : i32
    %cond3A_177 = arith.cmpi ne, %convert_element_type3A_175, %cond3A_176 : i32
    scf.if %cond3A_177 {
      %multiple_of3A_273 = tpu.assume_multiple %add3A_164, 8 : i32
      %dma_start3A_274 = arith.constant 0 : i32
      %dma_start3A_275 = tpu.memref_slice %arg3[%multiple_of3A_273, %dma_start3A_274] : memref<65536x128xf32, #tpu.memory_space<hbm>> -> memref<256x128xf32, #tpu.memory_space<hbm>>
      %dma_start3A_276 = arith.constant 0 : i32
      %dma_start3A_277 = tpu.memref_slice %arg3[%multiple_of3A_273, %dma_start3A_276] : memref<65536x128xf32, #tpu.memory_space<hbm>> -> memref<256x128xf32, #tpu.memory_space<hbm>>
      tpu.enqueue_dma source(%dma_start3A_277 : memref<256x128xf32, #tpu.memory_space<hbm>>) target(%arg7 : memref<256x128xf32, #tpu.memory_space<vmem>>) target_semaphore(%arg10 : memref<!tpu.dma_semaphore, #tpu.memory_space<semaphore_mem>>)
    } else {
    }
    %dma_wait3A_178 = arith.constant 0 : i32
    %dma_wait3A_179 = arith.constant 0 : i32
    %dma_wait3A_180 = tpu.memref_slice %arg3[%dma_wait3A_178, %dma_wait3A_179] : memref<65536x128xf32, #tpu.memory_space<hbm>> -> memref<256x128xf32, #tpu.memory_space<hbm>>
    %dma_wait3A_181 = arith.constant 0 : i32
    %dma_wait3A_182 = arith.constant 0 : i32
    %dma_wait3A_183 = tpu.memref_slice %arg3[%dma_wait3A_181, %dma_wait3A_182] : memref<65536x128xf32, #tpu.memory_space<hbm>> -> memref<256x128xf32, #tpu.memory_space<hbm>>
    tpu.wait_dma2 semaphore(%arg11 : memref<!tpu.dma_semaphore, #tpu.memory_space<semaphore_mem>>) src(%dma_wait3A_183 : memref<256x128xf32, #tpu.memory_space<hbm>>) dst(%arg8 : memref<256x128xf32, #tpu.memory_space<vmem>>)
    %add3A_184 = arith.constant 1024 : i32
    %add3A_185 = arith.addi %mul3A_5, %add3A_184 : i32
    %multiple_of3A_186 = tpu.assume_multiple %add3A_185, 8 : i32
    %dma_start3A_187 = arith.constant 0 : i32
    %dma_start3A_188 = tpu.memref_slice %arg5[%multiple_of3A_186, %dma_start3A_187] : memref<65536x128xf32, #tpu.memory_space<hbm>> -> memref<256x128xf32, #tpu.memory_space<hbm>>
    %dma_start3A_189 = arith.constant 0 : i32
    %dma_start3A_190 = tpu.memref_slice %arg5[%multiple_of3A_186, %dma_start3A_189] : memref<65536x128xf32, #tpu.memory_space<hbm>> -> memref<256x128xf32, #tpu.memory_space<hbm>>
    tpu.enqueue_dma source(%arg8 : memref<256x128xf32, #tpu.memory_space<vmem>>) target(%dma_start3A_190 : memref<256x128xf32, #tpu.memory_space<hbm>>) target_semaphore(%arg14 : memref<!tpu.dma_semaphore, #tpu.memory_space<semaphore_mem>>)
    %dma_wait3A_191 = arith.constant 0 : i32
    %dma_wait3A_192 = arith.constant 0 : i32
    %dma_wait3A_193 = tpu.memref_slice %arg5[%dma_wait3A_191, %dma_wait3A_192] : memref<65536x128xf32, #tpu.memory_space<hbm>> -> memref<256x128xf32, #tpu.memory_space<hbm>>
    %dma_wait3A_194 = arith.constant 0 : i32
    %dma_wait3A_195 = arith.constant 0 : i32
    %dma_wait3A_196 = tpu.memref_slice %arg5[%dma_wait3A_194, %dma_wait3A_195] : memref<65536x128xf32, #tpu.memory_space<hbm>> -> memref<256x128xf32, #tpu.memory_space<hbm>>
    tpu.wait_dma2 semaphore(%arg14 : memref<!tpu.dma_semaphore, #tpu.memory_space<semaphore_mem>>) src(%arg8 : memref<256x128xf32, #tpu.memory_space<vmem>>) dst(%dma_wait3A_196 : memref<256x128xf32, #tpu.memory_space<hbm>>)
    %add3A_197 = arith.constant 1792 : i32
    %add3A_198 = arith.addi %mul3A_5, %add3A_197 : i32
    %ge3A_199 = arith.cmpi sge, %add3A_198, %min3A : i32
    %add3A_200 = arith.constant 4096 : i32
    %add3A_201 = arith.addi %min3A, %add3A_200 : i32
    %lt3A_202 = arith.cmpi slt, %add3A_198, %add3A_201 : i32
    %and3A_203 = arith.andi %ge3A_199, %lt3A_202 : i1
    %convert_element_type3A_204 = arith.extui %and3A_203 : i1 to i32
    %cond3A_205 = arith.constant 0 : i32
    %cond3A_206 = arith.cmpi ne, %convert_element_type3A_204, %cond3A_205 : i32
    scf.if %cond3A_206 {
      %sub3A = arith.subi %add3A_198, %min3A : i32
      %multiple_of3A_273 = tpu.assume_multiple %sub3A, 8 : i32
      %dma_start3A_274 = arith.constant 0 : i32
      %dma_start3A_275 = tpu.memref_slice %arg2[%multiple_of3A_273, %dma_start3A_274] : memref<4096x128xf32, #tpu.memory_space<hbm>> -> memref<256x128xf32, #tpu.memory_space<hbm>>
      %dma_start3A_276 = arith.constant 0 : i32
      %dma_start3A_277 = tpu.memref_slice %arg2[%multiple_of3A_273, %dma_start3A_276] : memref<4096x128xf32, #tpu.memory_space<hbm>> -> memref<256x128xf32, #tpu.memory_space<hbm>>
      tpu.enqueue_dma source(%dma_start3A_277 : memref<256x128xf32, #tpu.memory_space<hbm>>) target(%arg8 : memref<256x128xf32, #tpu.memory_space<vmem>>) target_semaphore(%arg11 : memref<!tpu.dma_semaphore, #tpu.memory_space<semaphore_mem>>)
    } else {
    }
    %not3A_207 = arith.constant true
    %not3A_208 = arith.xori %and3A_203, %not3A_207 : i1
    %convert_element_type3A_209 = arith.extui %not3A_208 : i1 to i32
    %cond3A_210 = arith.constant 0 : i32
    %cond3A_211 = arith.cmpi ne, %convert_element_type3A_209, %cond3A_210 : i32
    scf.if %cond3A_211 {
      %multiple_of3A_273 = tpu.assume_multiple %add3A_198, 8 : i32
      %dma_start3A_274 = arith.constant 0 : i32
      %dma_start3A_275 = tpu.memref_slice %arg3[%multiple_of3A_273, %dma_start3A_274] : memref<65536x128xf32, #tpu.memory_space<hbm>> -> memref<256x128xf32, #tpu.memory_space<hbm>>
      %dma_start3A_276 = arith.constant 0 : i32
      %dma_start3A_277 = tpu.memref_slice %arg3[%multiple_of3A_273, %dma_start3A_276] : memref<65536x128xf32, #tpu.memory_space<hbm>> -> memref<256x128xf32, #tpu.memory_space<hbm>>
      tpu.enqueue_dma source(%dma_start3A_277 : memref<256x128xf32, #tpu.memory_space<hbm>>) target(%arg8 : memref<256x128xf32, #tpu.memory_space<vmem>>) target_semaphore(%arg11 : memref<!tpu.dma_semaphore, #tpu.memory_space<semaphore_mem>>)
    } else {
    }
    %dma_wait3A_212 = arith.constant 0 : i32
    %dma_wait3A_213 = arith.constant 0 : i32
    %dma_wait3A_214 = tpu.memref_slice %arg3[%dma_wait3A_212, %dma_wait3A_213] : memref<65536x128xf32, #tpu.memory_space<hbm>> -> memref<256x128xf32, #tpu.memory_space<hbm>>
    %dma_wait3A_215 = arith.constant 0 : i32
    %dma_wait3A_216 = arith.constant 0 : i32
    %dma_wait3A_217 = tpu.memref_slice %arg3[%dma_wait3A_215, %dma_wait3A_216] : memref<65536x128xf32, #tpu.memory_space<hbm>> -> memref<256x128xf32, #tpu.memory_space<hbm>>
    tpu.wait_dma2 semaphore(%arg12 : memref<!tpu.dma_semaphore, #tpu.memory_space<semaphore_mem>>) src(%dma_wait3A_217 : memref<256x128xf32, #tpu.memory_space<hbm>>) dst(%arg9 : memref<256x128xf32, #tpu.memory_space<vmem>>)
    %add3A_218 = arith.constant 1280 : i32
    %add3A_219 = arith.addi %mul3A_5, %add3A_218 : i32
    %multiple_of3A_220 = tpu.assume_multiple %add3A_219, 8 : i32
    %dma_start3A_221 = arith.constant 0 : i32
    %dma_start3A_222 = tpu.memref_slice %arg5[%multiple_of3A_220, %dma_start3A_221] : memref<65536x128xf32, #tpu.memory_space<hbm>> -> memref<256x128xf32, #tpu.memory_space<hbm>>
    %dma_start3A_223 = arith.constant 0 : i32
    %dma_start3A_224 = tpu.memref_slice %arg5[%multiple_of3A_220, %dma_start3A_223] : memref<65536x128xf32, #tpu.memory_space<hbm>> -> memref<256x128xf32, #tpu.memory_space<hbm>>
    tpu.enqueue_dma source(%arg9 : memref<256x128xf32, #tpu.memory_space<vmem>>) target(%dma_start3A_224 : memref<256x128xf32, #tpu.memory_space<hbm>>) target_semaphore(%arg15 : memref<!tpu.dma_semaphore, #tpu.memory_space<semaphore_mem>>)
    %dma_wait3A_225 = arith.constant 0 : i32
    %dma_wait3A_226 = arith.constant 0 : i32
    %dma_wait3A_227 = tpu.memref_slice %arg3[%dma_wait3A_225, %dma_wait3A_226] : memref<65536x128xf32, #tpu.memory_space<hbm>> -> memref<256x128xf32, #tpu.memory_space<hbm>>
    %dma_wait3A_228 = arith.constant 0 : i32
    %dma_wait3A_229 = arith.constant 0 : i32
    %dma_wait3A_230 = tpu.memref_slice %arg3[%dma_wait3A_228, %dma_wait3A_229] : memref<65536x128xf32, #tpu.memory_space<hbm>> -> memref<256x128xf32, #tpu.memory_space<hbm>>
    tpu.wait_dma2 semaphore(%arg10 : memref<!tpu.dma_semaphore, #tpu.memory_space<semaphore_mem>>) src(%dma_wait3A_230 : memref<256x128xf32, #tpu.memory_space<hbm>>) dst(%arg7 : memref<256x128xf32, #tpu.memory_space<vmem>>)
    %add3A_231 = arith.constant 1536 : i32
    %add3A_232 = arith.addi %mul3A_5, %add3A_231 : i32
    %multiple_of3A_233 = tpu.assume_multiple %add3A_232, 8 : i32
    %dma_start3A_234 = arith.constant 0 : i32
    %dma_start3A_235 = tpu.memref_slice %arg5[%multiple_of3A_233, %dma_start3A_234] : memref<65536x128xf32, #tpu.memory_space<hbm>> -> memref<256x128xf32, #tpu.memory_space<hbm>>
    %dma_start3A_236 = arith.constant 0 : i32
    %dma_start3A_237 = tpu.memref_slice %arg5[%multiple_of3A_233, %dma_start3A_236] : memref<65536x128xf32, #tpu.memory_space<hbm>> -> memref<256x128xf32, #tpu.memory_space<hbm>>
    tpu.enqueue_dma source(%arg7 : memref<256x128xf32, #tpu.memory_space<vmem>>) target(%dma_start3A_237 : memref<256x128xf32, #tpu.memory_space<hbm>>) target_semaphore(%arg13 : memref<!tpu.dma_semaphore, #tpu.memory_space<semaphore_mem>>)
    %dma_wait3A_238 = arith.constant 0 : i32
    %dma_wait3A_239 = arith.constant 0 : i32
    %dma_wait3A_240 = tpu.memref_slice %arg3[%dma_wait3A_238, %dma_wait3A_239] : memref<65536x128xf32, #tpu.memory_space<hbm>> -> memref<256x128xf32, #tpu.memory_space<hbm>>
    %dma_wait3A_241 = arith.constant 0 : i32
    %dma_wait3A_242 = arith.constant 0 : i32
    %dma_wait3A_243 = tpu.memref_slice %arg3[%dma_wait3A_241, %dma_wait3A_242] : memref<65536x128xf32, #tpu.memory_space<hbm>> -> memref<256x128xf32, #tpu.memory_space<hbm>>
    tpu.wait_dma2 semaphore(%arg11 : memref<!tpu.dma_semaphore, #tpu.memory_space<semaphore_mem>>) src(%dma_wait3A_243 : memref<256x128xf32, #tpu.memory_space<hbm>>) dst(%arg8 : memref<256x128xf32, #tpu.memory_space<vmem>>)
    %add3A_244 = arith.constant 1792 : i32
    %add3A_245 = arith.addi %mul3A_5, %add3A_244 : i32
    %multiple_of3A_246 = tpu.assume_multiple %add3A_245, 8 : i32
    %dma_start3A_247 = arith.constant 0 : i32
    %dma_start3A_248 = tpu.memref_slice %arg5[%multiple_of3A_246, %dma_start3A_247] : memref<65536x128xf32, #tpu.memory_space<hbm>> -> memref<256x128xf32, #tpu.memory_space<hbm>>
    %dma_start3A_249 = arith.constant 0 : i32
    %dma_start3A_250 = tpu.memref_slice %arg5[%multiple_of3A_246, %dma_start3A_249] : memref<65536x128xf32, #tpu.memory_space<hbm>> -> memref<256x128xf32, #tpu.memory_space<hbm>>
    tpu.enqueue_dma source(%arg8 : memref<256x128xf32, #tpu.memory_space<vmem>>) target(%dma_start3A_250 : memref<256x128xf32, #tpu.memory_space<hbm>>) target_semaphore(%arg14 : memref<!tpu.dma_semaphore, #tpu.memory_space<semaphore_mem>>)
    %dma_wait3A_251 = arith.constant 0 : i32
    %dma_wait3A_252 = arith.constant 0 : i32
    %dma_wait3A_253 = tpu.memref_slice %arg5[%dma_wait3A_251, %dma_wait3A_252] : memref<65536x128xf32, #tpu.memory_space<hbm>> -> memref<256x128xf32, #tpu.memory_space<hbm>>
    %dma_wait3A_254 = arith.constant 0 : i32
    %dma_wait3A_255 = arith.constant 0 : i32
    %dma_wait3A_256 = tpu.memref_slice %arg5[%dma_wait3A_254, %dma_wait3A_255] : memref<65536x128xf32, #tpu.memory_space<hbm>> -> memref<256x128xf32, #tpu.memory_space<hbm>>
    tpu.wait_dma2 semaphore(%arg15 : memref<!tpu.dma_semaphore, #tpu.memory_space<semaphore_mem>>) src(%arg9 : memref<256x128xf32, #tpu.memory_space<vmem>>) dst(%dma_wait3A_256 : memref<256x128xf32, #tpu.memory_space<hbm>>)
    %dma_wait3A_257 = arith.constant 0 : i32
    %dma_wait3A_258 = arith.constant 0 : i32
    %dma_wait3A_259 = tpu.memref_slice %arg5[%dma_wait3A_257, %dma_wait3A_258] : memref<65536x128xf32, #tpu.memory_space<hbm>> -> memref<256x128xf32, #tpu.memory_space<hbm>>
    %dma_wait3A_260 = arith.constant 0 : i32
    %dma_wait3A_261 = arith.constant 0 : i32
    %dma_wait3A_262 = tpu.memref_slice %arg5[%dma_wait3A_260, %dma_wait3A_261] : memref<65536x128xf32, #tpu.memory_space<hbm>> -> memref<256x128xf32, #tpu.memory_space<hbm>>
    tpu.wait_dma2 semaphore(%arg13 : memref<!tpu.dma_semaphore, #tpu.memory_space<semaphore_mem>>) src(%arg7 : memref<256x128xf32, #tpu.memory_space<vmem>>) dst(%dma_wait3A_262 : memref<256x128xf32, #tpu.memory_space<hbm>>)
    %dma_wait3A_263 = arith.constant 0 : i32
    %dma_wait3A_264 = arith.constant 0 : i32
    %dma_wait3A_265 = tpu.memref_slice %arg5[%dma_wait3A_263, %dma_wait3A_264] : memref<65536x128xf32, #tpu.memory_space<hbm>> -> memref<256x128xf32, #tpu.memory_space<hbm>>
    %dma_wait3A_266 = arith.constant 0 : i32
    %dma_wait3A_267 = arith.constant 0 : i32
    %dma_wait3A_268 = tpu.memref_slice %arg5[%dma_wait3A_266, %dma_wait3A_267] : memref<65536x128xf32, #tpu.memory_space<hbm>> -> memref<256x128xf32, #tpu.memory_space<hbm>>
    tpu.wait_dma2 semaphore(%arg14 : memref<!tpu.dma_semaphore, #tpu.memory_space<semaphore_mem>>) src(%arg8 : memref<256x128xf32, #tpu.memory_space<vmem>>) dst(%dma_wait3A_268 : memref<256x128xf32, #tpu.memory_space<hbm>>)
    %eq3A = arith.constant 0 : i32
    %eq3A_269 = arith.cmpi eq, %add3A, %eq3A : i32
    %convert_element_type3A_270 = arith.extui %eq3A_269 : i1 to i32
    %cond3A_271 = arith.constant 0 : i32
    %cond3A_272 = arith.cmpi ne, %convert_element_type3A_270, %cond3A_271 : i32
    scf.if %cond3A_272 {
      %add3A_273 = arith.constant 4096 : i32
      %add3A_274 = arith.addi %squeeze3A, %add3A_273 : i32
      %jit3A_275 = arith.constant 65536 : i32
      %eq3A_276 = arith.constant 0 : i32
      %eq3A_277 = arith.cmpi eq, %jit3A_275, %eq3A_276 : i32
      %jit3A_278 = arith.constant 1 : i32
      %select_n3A = arith.select %eq3A_277, %jit3A_278, %jit3A_275 : i32
      %rem3A = arith.remsi %add3A_274, %select_n3A : i32
      %ne3A = arith.constant 0 : i32
      %ne3A_279 = arith.cmpi ne, %rem3A, %ne3A : i32
      %lt3A_280 = arith.constant 0 : i32
      %lt3A_281 = arith.cmpi slt, %rem3A, %lt3A_280 : i32
      %lt3A_282 = arith.constant 0 : i32
      %lt3A_283 = arith.cmpi slt, %select_n3A, %lt3A_282 : i32
      %ne3A_284 = arith.xori %lt3A_281, %lt3A_283 : i1
      %and3A_285 = arith.andi %ne3A_284, %ne3A_279 : i1
      %add3A_286 = arith.addi %rem3A, %select_n3A : i32
      %select_n3A_287 = arith.select %and3A_285, %add3A_286, %rem3A : i32
      %broadcast_in_dim3A = vector.broadcast %select_n3A_287 : i32 to vector<16xi32>
      %swap3A = arith.constant 0 : index
      %swap3A_288 = tpu.vector_load %arg16[%swap3A] {strides = array<i32>} : memref<16xi32, #tpu.memory_space<vmem>>, vector<16xi32>,
      %swap3A_289 = vector.shape_cast %swap3A_288 : vector<16xi32> to vector<16xi32>
      %swap3A_290 = vector.shape_cast %broadcast_in_dim3A : vector<16xi32> to vector<16xi32>
      tpu.vector_store %arg16[%swap3A], %swap3A_290 {strides = array<i32>} : memref<16xi32, #tpu.memory_space<vmem>>, vector<16xi32>,
      "tpu.region"() ({
        %run_scoped3A = tpu.sem_alloc : memref<!tpu.dma_semaphore, #tpu.memory_space<semaphore_mem>>
        %dma_start3A_291 = arith.constant 0 : i32
        %dma_start3A_292 = tpu.memref_slice %arg16[%dma_start3A_291] : memref<16xi32, #tpu.memory_space<vmem>> -> memref<1xi32, #tpu.memory_space<vmem>>
        %dma_start3A_293 = arith.constant 0 : i32
        %dma_start3A_294 = tpu.memref_slice %arg16[%dma_start3A_293] : memref<16xi32, #tpu.memory_space<vmem>> -> memref<1xi32, #tpu.memory_space<vmem>>
        tpu.enqueue_dma source(%dma_start3A_294 : memref<1xi32, #tpu.memory_space<vmem>>) target(%arg6 : memref<1xi32, #tpu.memory_space<hbm>>) target_semaphore(%run_scoped3A : memref<!tpu.dma_semaphore, #tpu.memory_space<semaphore_mem>>)
        %dma_wait3A_295 = arith.constant 0 : i32
        %dma_wait3A_296 = tpu.memref_slice %arg16[%dma_wait3A_295] : memref<16xi32, #tpu.memory_space<vmem>> -> memref<1xi32, #tpu.memory_space<vmem>>
        %dma_wait3A_297 = arith.constant 0 : i32
        %dma_wait3A_298 = tpu.memref_slice %arg16[%dma_wait3A_297] : memref<16xi32, #tpu.memory_space<vmem>> -> memref<1xi32, #tpu.memory_space<vmem>>
        tpu.wait_dma2 semaphore(%run_scoped3A : memref<!tpu.dma_semaphore, #tpu.memory_space<semaphore_mem>>) src(%dma_wait3A_298 : memref<1xi32, #tpu.memory_space<vmem>>) dst(%arg6 : memref<1xi32, #tpu.memory_space<hbm>>)
        tpu.yield
      }) : () -> ()
    } else {
    }
    return
  }
}

</mosaic_0001>

<sc_bundles>
// kernel: kernel.3.cloned.1.call-start
scs
__scs_entry_jumppad:
0x0: {  	(pc) =	sbr.rel $0x88, $3  }
0x1: {  	(tag) =	ssettag $0x0;
	lr =	simm.s32 $0x1  }
0x2: {  	[smem:$0x3F9E] =	sst lr;
	_ =	strace $0xD0000000  }
0x3: {  	_ = 	snop  }
0x4: {  	_ = 	snop  }
0x5: {  	_ = 	snop  }
0x6: {  	_ = 	snop  }
0x7: {  	_ = 	snop  }
__scs_overlays_trampoline_lowered:
0x8: {  	[smem:$0x3FAD] =	sst s0  }
0x9: {  	[smem:$0x3FAE] =	sst s1  }
0xa: {  	[smem:$0x3FAF] =	sst s2  }
0xb: {  	[smem:$0x3FB0] =	sst s3  }
0xc: {  	[smem:$0x3FB1] =	sst s4  }
0xd: {  	[smem:$0x3FB2] =	sst s5  }
0xe: {  	[smem:$0x3FB3] =	sst s6  }
0xf: {  	[smem:$0x3FB4] =	sst s7  }
0x10: {  	[smem:$0x3FB5] =	sst s8  }
0x11: {  	[smem:$0x3FB6] =	sst s9;
	s0 =	simm.s32 @!p0 $0x0  }
0x12: {  	s1 =	sld [smem:$0x3F9C];
	s0 =	simm.s32 @p0 $0x1  }
0x13: {  	[smem:$0x3FB7] =	sst s0;
	s0 =	simm.s32 @!p1 $0x0  }
0x14: {  	s2 =	sld [smem:$0x3F9B];
	s0 =	simm.s32 @p1 $0x1  }
0x15: {  	[smem:$0x3FB8] =	sst s0;
	s0 =	simm.s32 @!p2 $0x0  }
0x16: {  	s3 =	sld [smem:$0x3FDB];
	s0 =	simm.s32 @p2 $0x1  }
0x17: {  	s4 =	simm.s32 $0x1BF5;
	[smem:$0x3FBA] =	sst s0  }
0x18: {  	s0 =	sld [smem:$0x3F9D];
	_ =	swait.ge [sflag:s4], $0x0  }
0x19: {  	s7 =	sld [smem:$0x3F9E]  }
0x1a: {  	s8 =	sadd.s32 $0xFFFFE003, lr  }
0x1b: {  	s9 =	sadd.s32 $0xFFFFFEF7, lr;
	s5 =	simm.s32 $0xFFFFFFFF;
	p2 =	slt.u32 s8, $0xFFFFF086  }
0x1c: {  	p1 =	slt.u32 s9, $0xF7A;
	s5 =	simm.s32 @!p2 $0x0  }
0x1d: {  	s5 =	simm.s32 @p1 $0x1;
	p0 =	seq.s32 s7, s2  }
0x1e: {  	s7 =	smul.u32 @!p0 $0xF7A, s2;
	p2 =	seq.s32 @!p0 s5, $0x0  }
0x1f: {  	s9 =	smul.u32 $0xF7A, s1;
	s8 =	simm.s32 @!p0 $0x1BF5;
	p2 =	por !p2, p0  }
0x20: {  	[sflag:s8] =	ssyncset.s32 @!p0 $0xFFFFF086;
	s6 =	sadd.s32 @!p0 s3, s7;
	s7 =	simm.s32 @!p0 $0x108  }
0x21: {  	s3 =	sadd.s32 s3, s9;
	s6 =	sadd.s32 @!p0 $0x88, s6;
	s7 =	simm.s32 @p2 $0x1082  }
0x22: {  	[simem:s7], [sflag:s8] =	dma.local @!p0 [hbm:s6], $0xF7A  }
0x23: {  	s9 =	sor.u32 $0xD0000000, s2;
	s6 =	simm.s32 $0x108;
	_ =	swait.ge @!p0 [sflag:s8], $0x0  }
0x24: {  	s3 =	sadd.s32 $0x88, s3;
	s6 =	simm.s32 @!p1 $0x1082;
	[sflag:s4] =	ssyncset.s32 $0xFFFFF086  }
0x25: {  	[simem:s6], [sflag:s4] =	dma.local [hbm:s3], $0xF7A  }
0x26: {  	[smem:$0x3F9E] =	sst s1;
	(tag) =	ssettag s2;
	_ =	strace s9  }
0x27: {  	s1 =	sld [smem:$0x3FAE]  }
0x28: {  	s2 =	sld [smem:$0x3FAF]  }
0x29: {  	s4 =	sld [smem:$0x3FB1]  }
0x2a: {  	p0 =	seq.s32 s5, $0x0;
	s5 =	sld [smem:$0x3FB2]  }
0x2b: {  	s6 =	sld [smem:$0x3FB3]  }
0x2c: {  	s7 =	sld [smem:$0x3FB4]  }
0x2d: {  	s3 =	simm.s32 $0x108;
	s8 =	sld [smem:$0x3FB5]  }
0x2e: {  	s3 =	simm.s32 @!p0 $0x1082;
	s9 =	sld [smem:$0x3FB6]  }
0x2f: {  	lr =	sadd.s32 s0, s3;
	s0 =	sld [smem:$0x3FAD]  }
0x30: {  	s3 =	sld [smem:$0x3FB0]  }
0x31: {  	[smem:$0x3FB9] =	sst s10  }
0x32: {  	s10 =	sld [smem:$0x3FB7];
	_ =	sdelay $0x3  }
0x33: {  	p0 =	seq.s32 s10, $0x1;
	s10 =	sld [smem:$0x3FB9];
	_ =	sdelay $0x3  }
0x34: {  	[smem:$0x3FB9] =	sst s10  }
0x35: {  	s10 =	sld [smem:$0x3FB8];
	_ =	sdelay $0x3  }
0x36: {  	p1 =	seq.s32 s10, $0x1;
	s10 =	sld [smem:$0x3FB9];
	_ =	sdelay $0x3  }
0x37: {  	[smem:$0x3FB9] =	sst s10  }
0x38: {  	s10 =	sld [smem:$0x3FBA]  }
0x39: {  	_ = 	snop;
	(pc) =	sbr.ind lr, $3  }
0x3a: {  	_ = 	snop  }
0x3b: {  	_ = 	snop  }
0x3c: {  	p2 =	seq.s32 s10, $0x1;
	s10 =	sld [smem:$0x3FB9]  }
0x3d: {  	_ =	shalt  }
0x3e: {  	_ =	shalt  }
0x3f: {  	_ =	shalt  }
0x40: {  	_ =	shalt  }
0x41: {  	_ =	shalt  }
0x42: {  	_ =	shalt  }
0x43: {  	_ =	shalt  }
0x44: {  	_ =	shalt  }
0x45: {  	_ =	shalt  }
0x46: {  	_ =	shalt  }
0x47: {  	_ =	shalt  }
0x48: {  	_ =	shalt  }
0x49: {  	_ =	shalt  }
0x4a: {  	_ =	shalt  }
0x4b: {  	_ =	shalt  }
0x4c: {  	_ =	shalt  }
0x4d: {  	_ =	shalt  }
0x4e: {  	_ =	shalt  }
0x4f: {  	_ =	shalt  }
0x50: {  	_ =	shalt  }
0x51: {  	_ =	shalt  }
0x52: {  	_ =	shalt  }
0x53: {  	_ =	shalt  }
0x54: {  	_ =	shalt  }
0x55: {  	_ =	shalt  }
0x56: {  	_ =	shalt  }
0x57: {  	_ =	shalt  }
0x58: {  	_ =	shalt  }
0x59: {  	_ =	shalt  }
0x5a: {  	_ =	shalt  }
0x5b: {  	_ =	shalt  }
0x5c: {  	_ =	shalt  }
0x5d: {  	_ =	shalt  }
0x5e: {  	_ =	shalt  }
0x5f: {  	_ =	shalt  }
0x60: {  	_ =	shalt  }
0x61: {  	_ =	shalt  }
0x62: {  	_ =	shalt  }
0x63: {  	_ =	shalt  }
0x64: {  	_ =	shalt  }
0x65: {  	_ =	shalt  }
0x66: {  	_ =	shalt  }
0x67: {  	_ =	shalt  }
0x68: {  	_ =	shalt  }
0x69: {  	_ =	shalt  }
0x6a: {  	_ =	shalt  }
0x6b: {  	_ =	shalt  }
0x6c: {  	_ =	shalt  }
0x6d: {  	_ =	shalt  }
0x6e: {  	_ =	shalt  }
0x6f: {  	_ =	shalt  }
0x70: {  	_ =	shalt  }
0x71: {  	_ =	shalt  }
0x72: {  	_ =	shalt  }
0x73: {  	_ =	shalt  }
0x74: {  	_ =	shalt  }
0x75: {  	_ =	shalt  }
0x76: {  	_ =	shalt  }
0x77: {  	_ =	shalt  }
0x78: {  	_ =	shalt  }
0x79: {  	_ =	shalt  }
0x7a: {  	_ =	shalt  }
0x7b: {  	_ =	shalt  }
0x7c: {  	_ =	shalt  }
0x7d: {  	_ =	shalt  }
0x7e: {  	_ =	shalt  }
0x7f: {  	_ =	shalt  }
0x80: {  	_ =	shalt  }
0x81: {  	_ =	shalt  }
0x82: {  	_ =	shalt  }
0x83: {  	_ =	shalt  }
0x84: {  	_ =	shalt  }
0x85: {  	_ =	shalt  }
0x86: {  	_ =	shalt  }
0x87: {  	_ =	shalt  }
.Lfunc_end0:
.L_simem_size_0:
called_computation_lowered:
.L_overlay_start_0:
0x88: {  	s2 =	sld [smem:$0x3FD9]  }
0x89: {  	s3 =	sld [smem:$0x3FFE];
	_ =	sdelay $0x1  }
0x8a: {  	s1 =	srdreg.scid  }
0x8b: {  	s0 =	sand.u32 $0x1, s1  }
0x8c: {  	s15 =	sshll.u32 s0, $0xA;
	s2 =	sadd.s32 s3, s2  }
0x8d: {  	s2 =	sadd.s32 s2, s15  }
0x8e: {  	[smem:$0x3FC5] =	sst s2  }
0x8f: {  	_ = 	snop  }
0x90: {  	s2 =	sld [smem:$0x3FD0]  }
0x91: {  	s16 =	sld [smem:$0x3FC9]  }
0x92: {  	s4 =	sld [smem:$0x3FC8]  }
0x93: {  	s6 =	simm.s32 $0xA;
	s7 =	simm.s32 $0x10;
	s5 =	sld [smem:$0x3FC7]  }
0x94: {  	[smem:s7], [sflag:s6] =	dma.local [hbm:s2], $0x1  }
0x95: {  	_ =	swait.eq [sflag:s6], $0x1  }
0x96: {  	[sflag:s6] =	ssyncset.done $0x0  }
0x97: {  	s17 =	sld [smem:$0x10];
	[sflag:s6] =	ssyncadd.s32 $0xFFFFFFFF  }
0x98: {  	s18 =	sld [smem:$0x11];
	(tm) =	ssettm $0x1  }
0x99: {  	s19 =	sld [smem:$0x3FFB];
	_ =	sdelay $0x3  }
0x9a: {  	_ =	strace s19  }
0x9b: {  	s7 =	sld [smem:$0x3FFC];
	_ =	sdelay $0x3  }
0x9c: {  	_ =	strace s7  }
0x9d: {  	s7 =	sld [smem:$0x3FFD];
	_ =	sdelay $0x3  }
0x9e: {  	_ =	strace s7  }
0x9f: {  	_ =	strace $0x8FFFFFFF  }
0xa0: {  	s20 =	sld [smem:$0x3FDB];
	_ =	sdelay $0x1  }
0xa1: {  	s8 =	simm.s32 $_scs_section_size  }
0xa2: {  	s9 =	simm.s32 $_size__tile_overlayer_lowered;
	s10 =	simm.s32 $_tile_overlayer_lowered  }
0xa3: {  	s23 =	simm.s32 $0x1BFF;
	s22 =	sshll.u32 s10, $0x1;
	s7 =	sadd.s32 s8, s20  }
0xa4: {  	s11 =	simm.s32 $0x0;
	s21 =	sshll.u32 s9, $0x1;
	s9 =	sadd.s32 s22, s7  }
0xa5: {  	[timem:s11], [sflag:s23] =	dma.local [hbm:s9], s21  }
0xa6: {  	_ =	swait.ge [sflag:s23], s21  }
0xa7: {  	s8 =	ssub.s32 $0x0, s21;
	[sflag:s23] =	ssyncset.done $0x0  }
0xa8: {  	[sflag:s23] =	ssyncadd.s32 s8;
	_ =	sdelay $0x1  }
0xa9: {  	s24 =	simm.s32 $0x1B8B  }
0xaa: {  	_ =	swait.ge [sflag:s24], $0x1  }
0xab: {  	[sflag:s24] =	ssyncset.done $0x0  }
0xac: {  	s25 =	simm.s32 $0x1B8E;
	[sflag:s24] =	ssyncadd.s32 $0xFFFFFFFF  }
0xad: {  	s26 =	simm.s32 $execute0_lowered;
	[smem:$0x3FD2] =	sst s25  }
0xae: {  	s8 =	sshll.u32 s26, $0x1;
	_ =	strace $0x80000046;
	[dreg:$0x1] =	wrdreg $0xFFFFFFFF  }
0xaf: {  	s28 =	simm.s32 $_size_execute0_lowered;
	s7 =	sadd.s32 s7, s8;
	[dreg:$0x0] =	wrdreg $0x0  }
0xb0: {  	s8 =	sshll.u32 s28, $0x1;
	[dreg:$0x2] =	wrdreg s7  }
0xb1: {  	[dreg:$0x3] =	wrdreg s8  }
0xb2: {  	[dreg:$0x4] =	wrdreg $0xC0  }
0xb3: {  	_ =	task [dreg:s11], $0x5FFFF  }
0xb4: {  	[dreg:$0x1] =	wrdreg $0xFFFFFFFF  }
0xb5: {  	[dreg:$0x0] =	wrdreg $0x60  }
0xb6: {  	[dreg:$0x2] =	wrdreg s16  }
0xb7: {  	[dreg:$0x3] =	wrdreg s4  }
0xb8: {  	[dreg:$0x4] =	wrdreg s5  }
0xb9: {  	[dreg:$0x5] =	wrdreg s17  }
0xba: {  	[dreg:$0x6] =	wrdreg s18  }
0xbb: {  	[dreg:$0x7] =	wrdreg $0x9  }
0xbc: {  	_ =	task.clear_ibuf [dreg:s11], $0x8FFFF;
	_ =	strace $0x90000046  }
0xbd: {  	s29 =	simm.s32 $0x9;
	_ =	strace $0x80000048  }
0xbe: {  	_ =	swait.ge [sflag:s29], $0x1  }
0xbf: {  	[sflag:s29] =	ssyncadd.s32 $0xFFFFFFFF  }
0xc0: {  	_ =	strace $0x90000048  }
0xc1: {  	_ =	sfence  }
0xc2: {  	s30 =	sld [smem:$0x0];
	_ =	sdelay $0x2  }
0xc3: {  	s31 =	sshll.u32 s1, $0xD;
	s1 =	sshrl.u32 s1, $0x2  }
0xc4: {  	s3 =	sand.u32 $0x4000, s31;
	s1 =	sadd.s32 s1, s30  }
0xc5: {  	s0 =	sor.u32 s3, s0;
	s1 =	sshll.u32 s1, $0x11  }
0xc6: {  	s0 =	sor.u32 s1, s0  }
0xc7: {  	s0 =	sadd.s32 $0x8F2B, s0  }
0xc8: {  	[sflag:s0] =	ssyncadd.remote.s32 $0x1  }
0xc9: {  	_ =	sfence.sel $0xFFFF  }
0xca: {  	[dreg:$0x0] =	wrdreg $0xFFFFFFFF;
	(pc) =	sbr.abs _section_cstart, $3  }
0xcb: {  	[dreg:$0x1] =	wrdreg $0xFFFFFFFF  }
0xcc: {  	_ =	task.clear_ibuf [dreg:s11], $0x2FFFF;
	_ =	strace $0x9FFFFFFF  }
0xcd: {  	(tm) =	ssettm $0x7FFFFFFF  }
tec
execute0_lowered:
.L_overlay_start_1:
0x0: {  	(tag) =	ssettag $0x1  }
0x1: {  	s2 =	rddreg [dreg:$0x0]  }
0x2: {  	s1 =	rddreg [dreg:$0x1]  }
0x3: {  	s0 =	rddreg [dreg:$0x2]  }
0x4: {  	s31 =	rddreg [dreg:$0x3]  }
0x5: {  	s3 =	rddreg [dreg:$0x4]  }
0x6: {  	s4 =	srdreg.scid;
	[dreg:$0x6] =	wrdreg s0  }
0x7: {  	s5 =	stileid.u32;
	[dreg:$0x7] =	wrdreg s3  }
0x8: {  	s30 =	sand.u32 $0x1, s4;
	s9 =	sshll.u32 s5, $0x1;
	s3 =	simm.s32 $0x0  }
0x9: {  	s13 =	sor.u32 s30, s9;
	[smem:$0x7FF] =	sst s3  }
0xa: {  	s4 =	sshll.u32 s13, $0xB;
	_ =	strace $0x80000047;
	s14 =	sshll.u32 s13, $0xF  }
0xb: {  	s5 =	sor.u32 $0x100, s4;
	s6 =	sor.u32 $0x200, s4;
	s7 =	sadd.s32 s31, s14  }
0xc: {  	s8 =	sor.u32 $0x400, s4;
	s15 =	sshll.u32 s5, $0x4;
	s16 =	sshll.u32 s6, $0x4  }
0xd: {  	[dreg:$0x8] =	wrdreg s7;
	s7 =	sor.u32 $0x300, s4;
	s9 =	sadd.s32 s31, s15  }
0xe: {  	s12 =	sshll.u32 s8, $0x4;
	s10 =	sadd.s32 s31, s16;
	[dreg:$0x9] =	wrdreg s9  }
0xf: {  	s19 =	sshll.u32 s7, $0x4;
	s11 =	sadd.s32 s31, s12;
	[dreg:$0xa] =	wrdreg s10  }
0x10: {  	s10 =	sadd.s32 s31, s19;
	[dreg:$0xc] =	wrdreg s11  }
0x11: {  	s9 =	sor.u32 $0x500, s4;
	s11 =	simm.s32 $0x18000;
	[dreg:$0xb] =	wrdreg s10  }
0x12: {  	s25 =	sshll.u32 s9, $0x4;
	[dreg:$0x10] =	wrdreg s11  }
0x13: {  	s10 =	sor.u32 $0x600, s4;
	s17 =	sadd.s32 s31, s25;
	s20 =	rddreg [dreg:$0x10]  }
0x14: {  	s11 =	sor.u32 $0x700, s4;
	s28 =	sshll.u32 s10, $0x4;
	[dreg:$0xd] =	wrdreg s17  }
0x15: {  	s29 =	sshll.u32 s11, $0x4;
	s17 =	rddreg [dreg:$0x6];
	s18 =	sadd.s32 s31, s28  }
0x16: {  	s0 =	sadd.s32 s31, s29;
	[dreg:$0xe] =	wrdreg s18  }
0x17: {  	[dreg:$0xf] =	wrdreg s0;
	s18 =	simm.s32 $0x7  }
0x18: {  	[tilespmem:s20], [sflag:$0x7] =	stream.linear.gather [hbm4b:s17+s3], $0x1, $0x38;
	[tilespmem:$0x18080] =	vst v63  }
0x19: {  	_ =	swait.ge [sflag:s18], $0x1  }
0x1a: {  	[sflag:s18] =	ssyncset.done $0x0  }
0x1b: {  	[sflag:s18] =	ssyncadd.s32 $0xFFFFFFFF  }
0x1c: {  	v0 =	vld [tilespmem:$0x18000];
	_ =	sdelay $0x4  }
0x1d: {  	(v2sf) =	vpush v0, $0x0;
	_ =	sdelay $0xe  }
0x1e: {  	s0 =	spop (v2sf)  }
0x1f: {  	p0 =	sne.s32 s13, $0x0;
	p1 =	sgt.s32 s0, $0x0  }
0x20: {  	s13 =	sadd.s32 @!p0 $0x1000, s0;
	s0 =	simm.s32 @!p1 $0x0  }
0x21: {  	s31 =	smin.u32 s0, $0xF000  }
0x22: {  	s0 =	ssub.s32 s4, s31  }
0x23: {  	s0 =	sshll.u32 s0, $0x4  }
0x24: {  	[dreg:$0x15] =	wrdreg s13;
	s21 =	sand.u32 $0xFFF80, s0;
	s0 =	sadd.s32 $0x1000, s31  }
0x25: {  	s13 =	sadd.s32 s1, s14;
	p1 =	sge.u32 s4, s0;
	s14 =	sadd.s32 s2, s21  }
0x26: {  	p2 =	slt.u32 s4, s31;
	s14 =	smov.u32 @p1 s13  }
0x27: {  	s22 =	ssub.s32 s5, s31;
	s14 =	smov.u32 @p2 s13  }
0x28: {  	[tilespmem:s3], [sflag:$0x1] =	stream.linear.gather [hbm4b:s14+s3], $0x8000, $0x38;
	[tilespmem:$0x18080] =	vst v63  }
0x29: {  	s14 =	sshll.u32 s22, $0x4  }
0x2a: {  	[dreg:$0x11] =	wrdreg s13;
	s23 =	sand.u32 $0xFFF80, s14  }
0x2b: {  	p1 =	sge.u32 s5, s0;
	s13 =	sadd.s32 s1, s15;
	s17 =	sadd.s32 s2, s23  }
0x2c: {  	s17 =	smov.u32 @p1 s13;
	p1 =	slt.u32 s5, s31  }
0x2d: {  	s24 =	ssub.s32 s6, s31;
	s15 =	simm.s32 $0x8000;
	s17 =	smov.u32 @p1 s13  }
0x2e: {  	[tilespmem:s15], [sflag:$0x2] =	stream.linear.gather [hbm4b:s17+s3], $0x8000, $0x38;
	[tilespmem:$0x18080] =	vst v63  }
0x2f: {  	s17 =	sshll.u32 s24, $0x4  }
0x30: {  	[dreg:$0x12] =	wrdreg s13;
	s17 =	sand.u32 $0xFFF80, s17  }
0x31: {  	s13 =	sadd.s32 s1, s16;
	p1 =	sge.u32 s6, s0;
	s18 =	sadd.s32 s2, s17  }
0x32: {  	p2 =	slt.u32 s6, s31;
	s18 =	smov.u32 @p1 s13  }
0x33: {  	[dreg:$0x13] =	wrdreg s13;
	s18 =	smov.u32 @p2 s13;
	s13 =	simm.s32 $0x10000  }
0x34: {  	[tilespmem:s13], [sflag:$0x3] =	stream.linear.gather [hbm4b:s18+s3], $0x8000, $0x38;
	[tilespmem:$0x18080] =	vst v63  }
0x35: {  	s14 =	ssub.s32 s7, s31;
	s18 =	simm.s32 $0x1  }
0x36: {  	s20 =	sshll.u32 s14, $0x4;
	_ =	swait.ge [sflag:s18], $0x8000  }
0x37: {  	s14 =	sadd.s32 s1, s19;
	s21 =	sand.u32 $0xFFF80, s20;
	[sflag:s18] =	ssyncset.done $0x0  }
0x38: {  	s20 =	simm.s32 $0x4;
	s26 =	rddreg [dreg:$0x8];
	[sflag:s18] =	ssyncadd.s32 $0xFFFF8000  }
0x39: {  	[hbm4b:s26+s3] =	stream.linear.scatter [tilespmem:s3], [sflag:$0x4], $0x8000, $0x38;
	[tilespmem:$0x18080] =	vst v63  }
0x3a: {  	s21 =	sadd.s32 s2, s21;
	p1 =	sge.u32 s7, s0;
	_ =	swait.ge [sflag:s20], $0x8000  }
0x3b: {  	s21 =	smov.u32 @p1 s14;
	p1 =	slt.u32 s7, s31;
	[sflag:s20] =	ssyncset.done $0x0  }
0x3c: {  	s21 =	smov.u32 @p1 s14;
	[sflag:s20] =	ssyncadd.s32 $0xFFFF8000  }
0x3d: {  	[tilespmem:s3], [sflag:$0x1] =	stream.linear.gather [hbm4b:s21+s3], $0x8000, $0x38;
	[tilespmem:$0x18080] =	vst v63  }
0x3e: {  	s16 =	ssub.s32 s8, s31;
	[dreg:$0x14] =	wrdreg s14;
	s21 =	simm.s32 $0x2  }
0x3f: {  	s23 =	sshll.u32 s16, $0x4;
	_ =	swait.ge [sflag:s21], $0x8000  }
0x40: {  	s17 =	sand.u32 $0xFFF80, s23;
	s23 =	simm.s32 $0x5;
	[sflag:s21] =	ssyncset.done $0x0  }
0x41: {  	p1 =	sge.u32 s8, s0;
	s22 =	rddreg [dreg:$0x9];
	[sflag:s21] =	ssyncadd.s32 $0xFFFF8000  }
0x42: {  	[hbm4b:s22+s3] =	stream.linear.scatter [tilespmem:s15], [sflag:$0x5], $0x8000, $0x38;
	[tilespmem:$0x18080] =	vst v63  }
0x43: {  	s22 =	sadd.s32 s1, s12;
	s12 =	sadd.s32 s2, s17;
	_ =	swait.ge [sflag:s23], $0x8000  }
0x44: {  	s12 =	smov.u32 @p1 s22;
	p1 =	slt.u32 s8, s31;
	[sflag:s23] =	ssyncset.done $0x0  }
0x45: {  	s24 =	simm.s32 $0x3;
	s12 =	smov.u32 @p1 s22;
	[sflag:s23] =	ssyncadd.s32 $0xFFFF8000  }
0x46: {  	[tilespmem:s15], [sflag:$0x2] =	stream.linear.gather [hbm4b:s12+s3], $0x8000, $0x38;
	[tilespmem:$0x18080] =	vst v63  }
0x47: {  	s25 =	sadd.s32 s1, s25;
	s26 =	ssub.s32 s9, s31;
	_ =	swait.ge [sflag:s24], $0x8000  }
0x48: {  	s12 =	sshll.u32 s26, $0x4;
	s26 =	simm.s32 $0x6;
	[sflag:s24] =	ssyncset.done $0x0  }
0x49: {  	s12 =	sand.u32 $0xFFF80, s12;
	s19 =	rddreg [dreg:$0xa];
	[sflag:s24] =	ssyncadd.s32 $0xFFFF8000  }
0x4a: {  	[hbm4b:s19+s3] =	stream.linear.scatter [tilespmem:s13], [sflag:$0x6], $0x8000, $0x38;
	[tilespmem:$0x18080] =	vst v63  }
0x4b: {  	p1 =	sge.u32 s9, s0;
	s12 =	sadd.s32 s2, s12;
	_ =	swait.ge [sflag:s26], $0x8000  }
0x4c: {  	s12 =	smov.u32 @p1 s25;
	p1 =	slt.u32 s9, s31;
	[sflag:s26] =	ssyncset.done $0x0  }
0x4d: {  	s12 =	smov.u32 @p1 s25;
	[sflag:s26] =	ssyncadd.s32 $0xFFFF8000  }
0x4e: {  	[tilespmem:s13], [sflag:$0x3] =	stream.linear.gather [hbm4b:s12+s3], $0x8000, $0x38;
	[tilespmem:$0x18080] =	vst v63  }
0x4f: {  	s16 =	ssub.s32 s10, s31;
	_ =	swait.ge [sflag:s18], $0x8000  }
0x50: {  	s28 =	sadd.s32 s1, s28;
	s12 =	sshll.u32 s16, $0x4;
	[sflag:s18] =	ssyncset.done $0x0  }
0x51: {  	s12 =	sand.u32 $0xFFF80, s12;
	s14 =	rddreg [dreg:$0xb];
	[sflag:s18] =	ssyncadd.s32 $0xFFFF8000  }
0x52: {  	[hbm4b:s14+s3] =	stream.linear.scatter [tilespmem:s3], [sflag:$0x4], $0x8000, $0x38;
	[tilespmem:$0x18080] =	vst v63  }
0x53: {  	p1 =	sge.u32 s10, s0;
	s12 =	sadd.s32 s2, s12;
	_ =	swait.ge [sflag:s20], $0x8000  }
0x54: {  	s12 =	smov.u32 @p1 s28;
	p1 =	slt.u32 s10, s31;
	[sflag:s20] =	ssyncset.done $0x0  }
0x55: {  	s12 =	smov.u32 @p1 s28;
	[sflag:s20] =	ssyncadd.s32 $0xFFFF8000  }
0x56: {  	[tilespmem:s3], [sflag:$0x1] =	stream.linear.gather [hbm4b:s12+s3], $0x8000, $0x38;
	[tilespmem:$0x18080] =	vst v63  }
0x57: {  	s19 =	ssub.s32 s11, s31;
	_ =	swait.ge [sflag:s21], $0x8000  }
0x58: {  	s29 =	sadd.s32 s1, s29;
	s12 =	sshll.u32 s19, $0x4;
	[sflag:s21] =	ssyncset.done $0x0  }
0x59: {  	s14 =	sand.u32 $0xFFF80, s12;
	s17 =	rddreg [dreg:$0xc];
	[sflag:s21] =	ssyncadd.s32 $0xFFFF8000  }
0x5a: {  	[hbm4b:s17+s3] =	stream.linear.scatter [tilespmem:s15], [sflag:$0x5], $0x8000, $0x38;
	[tilespmem:$0x18080] =	vst v63  }
0x5b: {  	p1 =	sge.u32 s11, s0;
	s0 =	sadd.s32 s2, s14;
	_ =	swait.ge [sflag:s23], $0x8000  }
0x5c: {  	p2 =	slt.u32 s11, s31;
	s0 =	smov.u32 @p1 s29;
	[sflag:s23] =	ssyncset.done $0x0  }
0x5d: {  	s0 =	smov.u32 @p2 s29;
	[sflag:s23] =	ssyncadd.s32 $0xFFFF8000  }
0x5e: {  	[tilespmem:s15], [sflag:$0x2] =	stream.linear.gather [hbm4b:s0+s3], $0x8000, $0x38;
	[tilespmem:$0x18080] =	vst v63  }
0x5f: {  	_ =	swait.ge [sflag:s24], $0x8000  }
0x60: {  	[sflag:s24] =	ssyncset.done $0x0  }
0x61: {  	s16 =	rddreg [dreg:$0xd];
	[sflag:s24] =	ssyncadd.s32 $0xFFFF8000  }
0x62: {  	[hbm4b:s16+s3] =	stream.linear.scatter [tilespmem:s13], [sflag:$0x6], $0x8000, $0x38;
	[tilespmem:$0x18080] =	vst v63  }
0x63: {  	_ =	swait.ge [sflag:s18], $0x8000  }
0x64: {  	[sflag:s18] =	ssyncset.done $0x0  }
0x65: {  	s17 =	rddreg [dreg:$0xe];
	[sflag:s18] =	ssyncadd.s32 $0xFFFF8000  }
0x66: {  	[hbm4b:s17+s3] =	stream.linear.scatter [tilespmem:s3], [sflag:$0x4], $0x8000, $0x38;
	[tilespmem:$0x18080] =	vst v63  }
0x67: {  	_ =	swait.ge [sflag:s21], $0x8000  }
0x68: {  	[sflag:s21] =	ssyncset.done $0x0  }
0x69: {  	s19 =	rddreg [dreg:$0xf];
	[sflag:s21] =	ssyncadd.s32 $0xFFFF8000  }
0x6a: {  	[hbm4b:s19+s3] =	stream.linear.scatter [tilespmem:s15], [sflag:$0x5], $0x8000, $0x38;
	[tilespmem:$0x18080] =	vst v63  }
0x6b: {  	_ =	swait.ge [sflag:s26], $0x8000  }
0x6c: {  	[sflag:s26] =	ssyncset.done $0x0  }
0x6d: {  	s30 =	ssub.s32 $0x2, s30;
	[sflag:s26] =	ssyncadd.s32 $0xFFFF8000  }
0x6e: {  	s31 =	sshrl.u32 s30, $0x1;
	_ =	swait.ge [sflag:s20], $0x8000  }
0x6f: {  	s0 =	ssub.s32 s30, s31;
	[sflag:s20] =	ssyncset.done $0x0  }
0x70: {  	s0 =	smax.u32 s0, $0x1;
	[sflag:s20] =	ssyncadd.s32 $0xFFFF8000  }
0x71: {  	s0 =	sadd.s32 $0xFFFFFFFF, s0;
	_ =	swait.ge [sflag:s23], $0x8000  }
0x72: {  	p1 =	sne.s32 s0, $0x0;
	s1 =	rddreg [dreg:$0x15]  }
.Ltmp0:
0x73: {  	[sflag:s23] =	ssyncset.done $0x0;
	s1 =	sand.u32 @!p0 $0xFFFF, s1;
	(pc) =	sbr.rel @!p1 .LBB2_3-.Ltmp0, $4  }
0x74: {  	[sflag:s23] =	ssyncadd.s32 $0xFFFF8000;
	v0 =	vmov @!p0 s1  }
0x75: {  	s13 =	simm.s32 @!p0 $0x18000;
	s12 =	rddreg [dreg:$0x7];
	s1 =	simm.s32 @!p0 $0x0;
	[tilespmem:$0x18000] =	vst @!p0 v0  }
0x76: {  	[hbm4b:s12+s1] =	stream.linear.scatter @!p0 [tilespmem:s13], [sflag:$0x7], $0x1, $0x38;
	[tilespmem:$0x18080] =	vst v63  }
0x77: {  	s13 =	simm.s32 @!p0 $0x7  }
0x78: {  	s30 =	simm.s32 $0x10000  }
.LBB2_2:
0x79: {  	_ =	swait.ge @!p0 [sflag:s13], $0x1  }
0x7a: {  	s1 =	rddreg [dreg:$0x6];
	[sflag:s13] =	ssyncset.done @!p0 $0x0  }
0x7b: {  	s16 =	simm.s32 $0x7;
	s12 =	rddreg [dreg:$0x10];
	[sflag:s13] =	ssyncadd.s32 @!p0 $0xFFFFFFFF  }
0x7c: {  	[tilespmem:s12], [sflag:$0x7] =	stream.linear.gather [hbm4b:s1+s3], $0x1, $0x38;
	[tilespmem:$0x18080] =	vst v63  }
0x7d: {  	_ =	swait.ge [sflag:s16], $0x1  }
0x7e: {  	[sflag:s16] =	ssyncset.done $0x0  }
0x7f: {  	[sflag:s16] =	ssyncadd.s32 $0xFFFFFFFF  }
0x80: {  	v0 =	vld [tilespmem:$0x18000];
	_ =	sdelay $0x4  }
0x81: {  	(v2sf) =	vpush v0, $0x0;
	_ =	sdelay $0xe  }
0x82: {  	s1 =	spop (v2sf)  }
0x83: {  	p2 =	sgt.s32 s1, $0x0  }
0x84: {  	s12 =	sadd.s32 @!p0 $0x1000, s1;
	s1 =	simm.s32 @!p2 $0x0  }
0x85: {  	s19 =	rddreg [dreg:$0x12];
	s1 =	smin.u32 s1, $0xF000  }
0x86: {  	s31 =	sand.u32 @!p0 $0xFFFF, s12;
	s12 =	sadd.s32 $0x1000, s1;
	s17 =	ssub.s32 s4, s1  }
0x87: {  	s14 =	ssub.s32 s5, s1;
	s16 =	ssub.s32 s6, s1;
	p4 =	slt.u32 s4, s1  }
0x88: {  	s13 =	sshll.u32 s17, $0x4;
	s14 =	sshll.u32 s14, $0x4;
	p2 =	sge.u32 s5, s12  }
0x89: {  	p3 =	sge.u32 s4, s12;
	s13 =	sand.u32 $0xFFF80, s13;
	s14 =	sand.u32 $0xFFF80, s14  }
0x8a: {  	s17 =	rddreg [dreg:$0x11];
	s13 =	sadd.s32 s2, s13;
	s14 =	sadd.s32 s2, s14  }
0x8b: {  	s16 =	sshll.u32 s16, $0x4;
	s13 =	smov.u32 @p3 s17;
	s14 =	smov.u32 @p2 s19  }
0x8c: {  	p2 =	slt.u32 s5, s1;
	p3 =	slt.u32 s6, s1;
	s13 =	smov.u32 @p4 s17  }
0x8d: {  	s14 =	smov.u32 @p2 s19;
	p2 =	sge.u32 s6, s12;
	s19 =	sand.u32 $0xFFF80, s16  }
0x8e: {  	[tilespmem:s3], [sflag:$0x1] =	stream.linear.gather [hbm4b:s13+s3], $0x8000, $0x38;
	[tilespmem:$0x18080] =	vst v63  }
0x8f: {  	s16 =	ssub.s32 s7, s1;
	s17 =	rddreg [dreg:$0x13];
	s13 =	sadd.s32 s2, s19  }
0x90: {  	s19 =	ssub.s32 s8, s1;
	s13 =	smov.u32 @p2 s17;
	p2 =	sge.u32 s7, s12  }
0x91: {  	[tilespmem:s15], [sflag:$0x2] =	stream.linear.gather [hbm4b:s14+s3], $0x8000, $0x38;
	[tilespmem:$0x18080] =	vst v63  }
0x92: {  	s14 =	sshll.u32 s16, $0x4;
	s13 =	smov.u32 @p3 s17;
	s16 =	sshll.u32 s19, $0x4  }
0x93: {  	[tilespmem:s30], [sflag:$0x3] =	stream.linear.gather [hbm4b:s13+s3], $0x8000, $0x38;
	[tilespmem:$0x18080] =	vst v63  }
0x94: {  	s17 =	ssub.s32 s9, s1;
	p3 =	slt.u32 s7, s1;
	_ =	swait.ge [sflag:s18], $0x8000  }
0x95: {  	s14 =	sand.u32 $0xFFF80, s14;
	s16 =	sand.u32 $0xFFF80, s16;
	[sflag:s18] =	ssyncset.done $0x0  }
0x96: {  	s13 =	sadd.s32 s2, s14;
	s14 =	rddreg [dreg:$0x8];
	[sflag:s18] =	ssyncadd.s32 $0xFFFF8000  }
0x97: {  	[hbm4b:s14+s3] =	stream.linear.scatter [tilespmem:s3], [sflag:$0x4], $0x8000, $0x38;
	[tilespmem:$0x18080] =	vst v63  }
0x98: {  	s17 =	sshll.u32 s17, $0x4;
	s19 =	rddreg [dreg:$0x14];
	_ =	swait.ge [sflag:s20], $0x8000  }
0x99: {  	s16 =	sadd.s32 s2, s16;
	s13 =	smov.u32 @p2 s19;
	[sflag:s20] =	ssyncset.done $0x0  }
0x9a: {  	p2 =	sge.u32 s8, s12;
	s13 =	smov.u32 @p3 s19;
	[sflag:s20] =	ssyncadd.s32 $0xFFFF8000  }
0x9b: {  	[tilespmem:s3], [sflag:$0x1] =	stream.linear.gather [hbm4b:s13+s3], $0x8000, $0x38;
	[tilespmem:$0x18080] =	vst v63  }
0x9c: {  	s17 =	sand.u32 $0xFFF80, s17;
	s16 =	smov.u32 @p2 s22;
	_ =	swait.ge [sflag:s21], $0x8000  }
0x9d: {  	p2 =	sge.u32 s9, s12;
	s14 =	sadd.s32 s2, s17;
	[sflag:s21] =	ssyncset.done $0x0  }
0x9e: {  	s19 =	ssub.s32 s10, s1;
	s17 =	rddreg [dreg:$0x9];
	[sflag:s21] =	ssyncadd.s32 $0xFFFF8000  }
0x9f: {  	[hbm4b:s17+s3] =	stream.linear.scatter [tilespmem:s15], [sflag:$0x5], $0x8000, $0x38;
	[tilespmem:$0x18080] =	vst v63  }
0xa0: {  	p3 =	slt.u32 s8, s1;
	s14 =	smov.u32 @p2 s25;
	_ =	swait.ge [sflag:s23], $0x8000  }
0xa1: {  	p2 =	sge.u32 s10, s12;
	s16 =	smov.u32 @p3 s22;
	[sflag:s23] =	ssyncset.done $0x0  }
0xa2: {  	s13 =	sshll.u32 s19, $0x4;
	s19 =	ssub.s32 s11, s1;
	[sflag:s23] =	ssyncadd.s32 $0xFFFF8000  }
0xa3: {  	[tilespmem:s15], [sflag:$0x2] =	stream.linear.gather [hbm4b:s16+s3], $0x8000, $0x38;
	[tilespmem:$0x18080] =	vst v63  }
0xa4: {  	s13 =	sand.u32 $0xFFF80, s13;
	s19 =	sshll.u32 s19, $0x4;
	_ =	swait.ge [sflag:s24], $0x8000  }
0xa5: {  	s13 =	sadd.s32 s2, s13;
	s19 =	sand.u32 $0xFFF80, s19;
	[sflag:s24] =	ssyncset.done $0x0  }
0xa6: {  	s13 =	smov.u32 @p2 s28;
	s17 =	rddreg [dreg:$0xa];
	[sflag:s24] =	ssyncadd.s32 $0xFFFF8000  }
0xa7: {  	[hbm4b:s17+s3] =	stream.linear.scatter [tilespmem:s30], [sflag:$0x6], $0x8000, $0x38;
	[tilespmem:$0x18080] =	vst v63  }
0xa8: {  	p2 =	sge.u32 s11, s12;
	s12 =	sadd.s32 s2, s19;
	_ =	swait.ge [sflag:s26], $0x8000  }
0xa9: {  	s12 =	smov.u32 @p2 s29;
	p2 =	slt.u32 s9, s1;
	[sflag:s26] =	ssyncset.done $0x0  }
0xaa: {  	s14 =	smov.u32 @p2 s25;
	[sflag:s26] =	ssyncadd.s32 $0xFFFF8000  }
0xab: {  	[tilespmem:s30], [sflag:$0x3] =	stream.linear.gather [hbm4b:s14+s3], $0x8000, $0x38;
	[tilespmem:$0x18080] =	vst v63  }
0xac: {  	_ =	swait.ge [sflag:s18], $0x8000  }
0xad: {  	[sflag:s18] =	ssyncset.done $0x0  }
0xae: {  	s19 =	rddreg [dreg:$0xb];
	[sflag:s18] =	ssyncadd.s32 $0xFFFF8000  }
0xaf: {  	[hbm4b:s19+s3] =	stream.linear.scatter [tilespmem:s3], [sflag:$0x4], $0x8000, $0x38;
	[tilespmem:$0x18080] =	vst v63  }
0xb0: {  	_ =	swait.ge [sflag:s20], $0x8000  }
0xb1: {  	p2 =	slt.u32 s10, s1;
	[sflag:s20] =	ssyncset.done $0x0  }
0xb2: {  	s13 =	smov.u32 @p2 s28;
	[sflag:s20] =	ssyncadd.s32 $0xFFFF8000  }
0xb3: {  	[tilespmem:s3], [sflag:$0x1] =	stream.linear.gather [hbm4b:s13+s3], $0x8000, $0x38;
	[tilespmem:$0x18080] =	vst v63  }
0xb4: {  	_ =	swait.ge [sflag:s21], $0x8000  }
0xb5: {  	[sflag:s21] =	ssyncset.done $0x0  }
0xb6: {  	s14 =	rddreg [dreg:$0xc];
	[sflag:s21] =	ssyncadd.s32 $0xFFFF8000  }
0xb7: {  	[hbm4b:s14+s3] =	stream.linear.scatter [tilespmem:s15], [sflag:$0x5], $0x8000, $0x38;
	[tilespmem:$0x18080] =	vst v63  }
0xb8: {  	_ =	swait.ge [sflag:s23], $0x8000  }
0xb9: {  	p2 =	slt.u32 s11, s1;
	[sflag:s23] =	ssyncset.done $0x0  }
0xba: {  	s12 =	smov.u32 @p2 s29;
	[sflag:s23] =	ssyncadd.s32 $0xFFFF8000  }
0xbb: {  	[tilespmem:s15], [sflag:$0x2] =	stream.linear.gather [hbm4b:s12+s3], $0x8000, $0x38;
	[tilespmem:$0x18080] =	vst v63  }
0xbc: {  	_ =	swait.ge [sflag:s24], $0x8000  }
0xbd: {  	[sflag:s24] =	ssyncset.done $0x0  }
0xbe: {  	s16 =	rddreg [dreg:$0xd];
	[sflag:s24] =	ssyncadd.s32 $0xFFFF8000  }
0xbf: {  	[hbm4b:s16+s3] =	stream.linear.scatter [tilespmem:s30], [sflag:$0x6], $0x8000, $0x38;
	[tilespmem:$0x18080] =	vst v63  }
0xc0: {  	_ =	swait.ge [sflag:s18], $0x8000  }
0xc1: {  	[sflag:s18] =	ssyncset.done $0x0  }
0xc2: {  	s17 =	rddreg [dreg:$0xe];
	[sflag:s18] =	ssyncadd.s32 $0xFFFF8000  }
0xc3: {  	[hbm4b:s17+s3] =	stream.linear.scatter [tilespmem:s3], [sflag:$0x4], $0x8000, $0x38;
	[tilespmem:$0x18080] =	vst v63  }
0xc4: {  	_ =	swait.ge [sflag:s21], $0x8000  }
0xc5: {  	[sflag:s21] =	ssyncset.done $0x0  }
0xc6: {  	s19 =	rddreg [dreg:$0xf];
	[sflag:s21] =	ssyncadd.s32 $0xFFFF8000  }
0xc7: {  	[hbm4b:s19+s3] =	stream.linear.scatter [tilespmem:s15], [sflag:$0x5], $0x8000, $0x38;
	[tilespmem:$0x18080] =	vst v63  }
0xc8: {  	_ =	swait.ge [sflag:s26], $0x8000  }
0xc9: {  	[sflag:s26] =	ssyncset.done $0x0  }
0xca: {  	[sflag:s26] =	ssyncadd.s32 $0xFFFF8000  }
0xcb: {  	_ =	swait.ge [sflag:s20], $0x8000  }
0xcc: {  	s0 =	sadd.s32 $0xFFFFFFFF, s0;
	[sflag:s20] =	ssyncset.done $0x0  }
0xcd: {  	p1 =	sne.s32 s0, $0x0;
	[sflag:s20] =	ssyncadd.s32 $0xFFFF8000  }
.Ltmp1:
0xce: {  	_ =	swait.ge [sflag:s23], $0x8000;
	(pc) =	sbr.rel @p1 .LBB2_2-.Ltmp1, $4  }
0xcf: {  	[sflag:s23] =	ssyncset.done $0x0  }
0xd0: {  	v0 =	vmov @!p0 s31;
	s13 =	simm.s32 @!p0 $0x7;
	[sflag:s23] =	ssyncadd.s32 $0xFFFF8000  }
0xd1: {  	s14 =	simm.s32 @!p0 $0x18000;
	s12 =	simm.s32 @!p0 $0x0;
	s1 =	rddreg [dreg:$0x7];
	[tilespmem:$0x18000] =	vst @!p0 v0  }
0xd2: {  	[hbm4b:s1+s12] =	stream.linear.scatter @!p0 [tilespmem:s14], [sflag:$0x7], $0x1, $0x38;
	[tilespmem:$0x18080] =	vst v63  }
.LBB2_3:
0xd3: {  	_ =	swait.ge @!p0 [sflag:s13], $0x1  }
0xd4: {  	[sflag:s13] =	ssyncset.done @!p0 $0x0  }
0xd5: {  	[sflag:s13] =	ssyncadd.s32 @!p0 $0xFFFFFFFF  }
0xd6: {  	_ =	sfence.sel $0x180000  }
0xd7: {  	[bflag:$0x0] =	sbarrier.arrive $0xFFFF  }
0xd8: {  	_ =	strace $0x90000047  }
0xd9: {  	s0 =	stileid.u32;
	[bflag:$0x2] =	sbarrier.arrive $0xFFFF  }
0xda: {  	p0 =	sne.s32 s0, $0x0;
	s0 =	rddreg [dreg:$0x5]  }
0xdb: {  	s0 =	sadd.s32 @!p0 $0x100000, s0  }
0xdc: {  	[sflag:s0] =	ssyncadd.tile.s32 @!p0 $0x1;
	_ =	shalt  }
.Lfunc_end2:
_tile_overlayer_lowered:
.L_overlay_start_2:
0xdd: {  	(tag) =	ssettag $0x2  }
0xde: {  	s0 =	rddreg [dreg:$0x0];
	s2 =	stileid.u32  }
0xdf: {  	s1 =	rddreg [dreg:$0x1];
	p0 =	sne.s32 s2, $0x0  }
0xe0: {  	s3 =	rddreg [dreg:$0x2];
	[bflag:$0x3] =	sbarrier.arrive $0xFFFF;
	s2 =	simm.s32 @!p0 $0x1C07  }
0xe1: {  	[timem:s3], [sflag:s2] =	dma.local @!p0 [hbm:s0], s1  }
0xe2: {  	s0 =	simm.s32 @!p0 $0x7  }
0xe3: {  	_ =	swait.ge @!p0 [sflag:s0], s1  }
0xe4: {  	s1 =	ssub.s32 @!p0 $0x0, s1;
	[sflag:s0] =	ssyncset.done @!p0 $0x0  }
0xe5: {  	[sflag:s0] =	ssyncadd.s32 @!p0 s1  }
0xe6: {  	[bflag:$0x3] =	sbarrier.arrive $0xFFFF  }
0xe7: {  	_ =	shalt  }

</sc_bundles>
